<compile_context>
chip_gen: v7x
topology: tpu7x:2x2x1
jax: 0.10.2.dev20260603
libtpu: 0.0.44.dev20260713+nightly
codegen_flags: <defaults>
</compile_context>

<pallas_src>
import dataclasses
import functools

import jax
import jax.numpy as jnp
from jax import lax
from jax.experimental import pallas as pl
from jax.experimental.pallas import tpu as pltpu
from jax.experimental.pallas import tpu_sc as plsc

_NN = 10000
_NP = 10240
_NE = 160000
_D = 256
_DH = 128
_NCLS = 64
_NCORES = 2
_NSUB = 16
_L = 16

_MESH = plsc.VectorSubcoreMesh(
    core_axis_name="c", subcore_axis_name="s",
    num_cores=_NCORES, num_subcores=_NSUB)

_SC_PARAMS = pltpu.CompilerParams()
if "needs_layout_passes" in pltpu.CompilerParams.__dataclass_fields__:
    _SC_PARAMS = dataclasses.replace(_SC_PARAMS, needs_layout_passes=False)

_EH = _NE // (_NCORES * _NSUB)
_HCH = 1000
_HG = _HCH // _L


def _hist_body(src_hbm, dst_hbm, hist_hbm, cnt_s, cnt_d, buf_s, buf_d):
    c = lax.axis_index("c")
    s = lax.axis_index("s")
    wid = s * _NCORES + c
    zi = jnp.zeros((_L,), jnp.int32)

    @pl.loop(0, _NN // _L)
    def _(i):
        cnt_s[pl.ds(i * _L, _L)] = zi
        cnt_d[pl.ds(i * _L, _L)] = zi

    buf_s[pl.ds(_HG * _L, _L)] = zi
    buf_d[pl.ds(_HG * _L, _L)] = zi

    ones = jnp.ones((_L,), jnp.int32)
    halfmask = lax.iota(jnp.int32, _L) < 8
    base = wid * _EH

    @pl.loop(0, _EH // _HCH)
    def _(j):
        e0 = base + j * _HCH
        pltpu.sync_copy(src_hbm.at[pl.ds(e0, _HCH)], buf_s.at[pl.ds(0, _HCH)])
        pltpu.sync_copy(dst_hbm.at[pl.ds(e0, _HCH)], buf_d.at[pl.ds(0, _HCH)])

        @pl.loop(0, _HG)
        def _(g):
            plsc.addupdate_scatter(cnt_s, [buf_s[pl.ds(g * _L, _L)]], ones)
            plsc.addupdate_scatter(cnt_d, [buf_d[pl.ds(g * _L, _L)]], ones)

        plsc.addupdate_scatter(cnt_s, [buf_s[pl.ds(_HG * _L, _L)]], ones,
                               mask=halfmask)
        plsc.addupdate_scatter(cnt_d, [buf_d[pl.ds(_HG * _L, _L)]], ones,
                               mask=halfmask)

    pltpu.sync_copy(cnt_s, hist_hbm.at[0, wid])
    pltpu.sync_copy(cnt_d, hist_hbm.at[1, wid])


_hist_call = pl.kernel(
    _hist_body,
    out_type=jax.ShapeDtypeStruct((2, _NCORES * _NSUB, _NN), jnp.int32),
    mesh=_MESH,
    scratch_types=[
        pltpu.VMEM((_NN,), jnp.int32),
        pltpu.VMEM((_NN,), jnp.int32),
        pltpu.VMEM((_HCH + 8,), jnp.int32),
        pltpu.VMEM((_HCH + 8,), jnp.int32),
    ],
    compiler_params=_SC_PARAMS,
)

_EC = 128
_NCH = 80
_EPT = _EC * _NCH
_NEP = _EPT * _NSUB
_RPT = 640
_NA = _RPT * _NSUB
_DUMMY = _NN + 104


def _agg_body(h_hbm, src_hbm, dst_hbm, out_hbm, acc, srcb, dv0, dv1,
              rows0, rows1, gs0, gs1, is0, is1, ssem):
    c = lax.axis_index("c")
    s = lax.axis_index("s")
    zf = jnp.zeros((_L,), jnp.float32)

    idx_cp = pltpu.async_copy(src_hbm.at[s], srcb, ssem)

    @pl.loop(0, _EC)
    def _(i):
        @pl.loop(0, _DH // _L)
        def _(j):
            rows0[i, pl.ds(j * _L, _L)] = zf

    @pl.loop(0, _RPT // _EC)
    def _(k):
        pltpu.sync_copy(rows0, acc.at[pl.ds(s * _RPT + k * _EC, _EC)])

    idx_cp.wait()
    plsc.subcore_barrier()

    hc = h_hbm.at[c]
    rows = (rows0, rows1)
    dvs = (dv0, dv1)
    gsems = (gs0, gs1)
    isems = (is0, is1)

    pltpu.async_copy(dst_hbm.at[s, 0], dv0, is0)
    pltpu.async_copy(dst_hbm.at[s, 1], dv1, is1)
    pltpu.async_copy(hc.at[srcb.at[0]], rows0, gs0)
    pltpu.async_copy(hc.at[srcb.at[1]], rows1, gs1)

    @pl.loop(0, _NCH // 2)
    def _(i):
        it = i * 2
        for b in range(2):
            pltpu.make_async_copy(hc.at[srcb.at[it + b]], rows[b],
                                  gsems[b]).wait()
            pltpu.make_async_copy(dst_hbm.at[s, it + b], dvs[b],
                                  isems[b]).wait()
            pltpu.sync_copy(rows[b], acc.at[dvs[b]], add=True)

            @pl.when(it + b + 2 < _NCH)
            def _():
                pltpu.async_copy(dst_hbm.at[s, it + b + 2], dvs[b], isems[b])
                pltpu.async_copy(hc.at[srcb.at[it + b + 2]], rows[b],
                                 gsems[b])

    plsc.subcore_barrier()
    pltpu.sync_copy(acc.at[pl.ds(s * _RPT, _RPT)],
                    out_hbm.at[c, pl.ds(s * _RPT, _RPT)])


_agg_call = pl.kernel(
    _agg_body,
    out_type=jax.ShapeDtypeStruct((2, _NP, _DH), jnp.float32),
    mesh=_MESH,
    scratch_types=[
        pltpu.VMEM_SHARED((_NA, _DH), jnp.float32),
        pltpu.VMEM((_NCH, _EC), jnp.int32),
        pltpu.VMEM((_EC,), jnp.int32),
        pltpu.VMEM((_EC,), jnp.int32),
        pltpu.VMEM((_EC, _DH), jnp.float32),
        pltpu.VMEM((_EC, _DH), jnp.float32),
        pltpu.SemaphoreType.DMA,
        pltpu.SemaphoreType.DMA,
        pltpu.SemaphoreType.DMA,
        pltpu.SemaphoreType.DMA,
        pltpu.SemaphoreType.DMA,
    ],
    compiler_params=_SC_PARAMS,
)

_MB = 1280
_GRID = _NP // _MB


def _scales(hist_ref):
    deg_o = jnp.sum(hist_ref[0], axis=0)
    deg_i = jnp.sum(hist_ref[1], axis=0)
    so = lax.rsqrt(jnp.maximum(deg_o, 1).astype(jnp.float32))[:, None]
    si = lax.rsqrt(jnp.maximum(deg_i, 1).astype(jnp.float32))[:, None]
    return so, si


def _dot(a, b):
    return jnp.dot(a, b, preferred_element_type=jnp.float32,
                   precision=lax.Precision.HIGHEST)


def _tc1_body(x_ref, hist_ref, w_ref, h_ref):
    so, _ = _scales(hist_ref)
    h = _dot(x_ref[...] * so, w_ref[...])
    h_ref[0] = h[:, :_DH]
    h_ref[1] = h[:, _DH:]


_tc1_call = pl.pallas_call(
    _tc1_body,
    grid=(_GRID,),
    in_specs=[
        pl.BlockSpec((_MB, _D), lambda i: (i, 0)),
        pl.BlockSpec((2, _NCORES * _NSUB, _MB), lambda i: (0, 0, i)),
        pl.BlockSpec((_D, _D), lambda i: (0, 0)),
    ],
    out_specs=pl.BlockSpec((2, _MB, _DH), lambda i: (0, i, 0)),
    out_shape=jax.ShapeDtypeStruct((2, _NP, _DH), jnp.float32),
)


def _tc2_body(a_ref, hist_ref, b_ref, w_ref, h_ref):
    so, si = _scales(hist_ref)
    t0 = jax.nn.relu(a_ref[0] * si + b_ref[:, :_DH]) * so
    t1 = jax.nn.relu(a_ref[1] * si + b_ref[:, _DH:]) * so
    h = _dot(t0, w_ref[:_DH, :]) + _dot(t1, w_ref[_DH:, :])
    h_ref[0] = h[:, :_DH]
    h_ref[1] = h[:, _DH:]


_tc2_call = pl.pallas_call(
    _tc2_body,
    grid=(_GRID,),
    in_specs=[
        pl.BlockSpec((2, _MB, _DH), lambda i: (0, i, 0)),
        pl.BlockSpec((2, _NCORES * _NSUB, _MB), lambda i: (0, 0, i)),
        pl.BlockSpec((1, _D), lambda i: (0, 0)),
        pl.BlockSpec((_D, _D), lambda i: (0, 0)),
    ],
    out_specs=pl.BlockSpec((2, _MB, _DH), lambda i: (0, i, 0)),
    out_shape=jax.ShapeDtypeStruct((2, _NP, _DH), jnp.float32),
)


def _tc3_body(a_ref, hist_ref, b_ref, wl_ref, bl_ref, o_ref):
    _, si = _scales(hist_ref)
    t0 = jax.nn.relu(a_ref[0] * si + b_ref[:, :_DH])
    t1 = jax.nn.relu(a_ref[1] * si + b_ref[:, _DH:])
    o_ref[...] = (_dot(t0, wl_ref[:_DH, :]) + _dot(t1, wl_ref[_DH:, :])
                  + bl_ref[...])


_tc3_call = pl.pallas_call(
    _tc3_body,
    grid=(_GRID,),
    in_specs=[
        pl.BlockSpec((2, _MB, _DH), lambda i: (0, i, 0)),
        pl.BlockSpec((2, _NCORES * _NSUB, _MB), lambda i: (0, 0, i)),
        pl.BlockSpec((1, _D), lambda i: (0, 0)),
        pl.BlockSpec((_D, _NCLS), lambda i: (0, 0)),
        pl.BlockSpec((1, _NCLS), lambda i: (0, 0)),
    ],
    out_specs=pl.BlockSpec((_MB, _NCLS), lambda i: (i, 0)),
    out_shape=jax.ShapeDtypeStruct((_NP, _NCLS), jnp.float32),
)


def kernel(x, edge_index, W1, b1, W2, b2, Wl, bl):
    src = edge_index[0]
    dst = edge_index[1]
    pad = _NEP - _NE
    src3 = jnp.concatenate(
        [src, jnp.zeros((pad,), jnp.int32)]).reshape(_NSUB, _NCH, _EC)
    dst3 = jnp.concatenate(
        [dst, jnp.full((pad,), _DUMMY, jnp.int32)]).reshape(_NSUB, _NCH, _EC)
    hist = _hist_call(src, dst)
    histp = jnp.pad(hist, ((0, 0), (0, 0), (0, _NP - _NN)))
    xp = jnp.pad(x, ((0, _NP - _NN), (0, 0)))
    h1 = _tc1_call(xp, histp, W1)
    agg1 = _agg_call(h1, src3, dst3)
    h2 = _tc2_call(agg1, histp, b1.reshape(1, -1), W2)
    agg2 = _agg_call(h2, src3, dst3)
    outp = _tc3_call(agg2, histp, b2.reshape(1, -1), Wl, bl.reshape(1, -1))
    return outp[:_NN]

# --- scband reference (transcript-rebuilt; emitter-appended) ---
"""Pipeline reference for scband-gcn-32306744000566 (READ-ONLY COPY).

The authoritative reference and input builder live on the scoring server;
editing this copy changes nothing except your own understanding.
"""

import jax, jax.numpy as jnp
import numpy as np

N_NODES = 10000
N_EDGES = 160000
D_IN = 256
D_H = 256
N_CLASSES = 64


def setup_inputs(seed: int = 0) -> dict:
    key = jax.random.key(seed)
    ks = jax.random.split(key, 8)
    x = jax.random.normal(ks[0], (N_NODES, D_IN), dtype=jnp.float32)
    edge_index = jax.random.randint(ks[1], (2, N_EDGES), 0, N_NODES, dtype=jnp.int32)
    # GraphConv layer 1: in=D_IN, out=D_H (glorot-ish init)
    W1 = jax.random.normal(ks[2], (D_IN, D_H), dtype=jnp.float32) * (1.0 / np.sqrt(D_IN))
    b1 = jnp.zeros((D_H,), dtype=jnp.float32)
    # GraphConv layer 2: in=D_H, out=D_H
    W2 = jax.random.normal(ks[3], (D_H, D_H), dtype=jnp.float32) * (1.0 / np.sqrt(D_H))
    b2 = jnp.zeros((D_H,), dtype=jnp.float32)
    # final linear classifier
    Wl = jax.random.normal(ks[4], (D_H, N_CLASSES), dtype=jnp.float32) * (1.0 / np.sqrt(D_H))
    bl = jnp.zeros((N_CLASSES,), dtype=jnp.float32)
    return {"x": x, "edge_index": edge_index, "W1": W1, "b1": b1, "W2": W2, "b2": b2, "Wl": Wl, "bl": bl}


def _graph_conv(x, src, dst, W, b):
    # DGL GraphConv with norm='both' (default): D_out^{-1/2} on src, sum-aggregate, D_in^{-1/2} on dst, + bias
    deg_out = jnp.clip(jnp.bincount(src, length=N_NODES), 1, None).astype(x.dtype)
    deg_in = jnp.clip(jnp.bincount(dst, length=N_NODES), 1, None).astype(x.dtype)
    h = x * jax.lax.rsqrt(deg_out)[:, None]
    h = h @ W
    msgs = jnp.take(h, src, axis=0)
    agg = jax.ops.segment_sum(msgs, dst, num_segments=N_NODES)
    return agg * jax.lax.rsqrt(deg_in)[:, None] + b


def reference(x, edge_index, W1, b1, W2, b2, Wl, bl):
    src = edge_index[0]
    dst = edge_index[1]
    # layer 1 (no upsample, no bn; dropout p=0.0 -> identity)
    h = _graph_conv(x, src, dst, W1, b1)
    h = jax.nn.relu(h)
    # layer 2
    h = _graph_conv(h, src, dst, W2, b2)
    h = jax.nn.relu(h)
    # final linear
    return h @ Wl + bl

if __name__ == "__main__":
    import jax
    _d = setup_inputs()
    print(jax.jit(kernel)(*tuple(_d.values())))

</pallas_src>

<mosaic_0001>
#map = affine_map<(d0, d1) -> (0, 0, 0)>
module attributes {stable_mosaic.version = 14 : i64} {
  func.func @_agg_body(%arg0: i32, %arg1: i32, %arg2: memref<2x10240x128xf32, #tpu.memory_space<hbm>>, %arg3: memref<16x80x128xi32, #tpu.memory_space<hbm>>, %arg4: memref<16x80x128xi32, #tpu.memory_space<hbm>>, %arg5: memref<2x10240x128xf32, #tpu.memory_space<hbm>>, %arg6: memref<10240x128xf32, #tpu.memory_space<vmem_shared>>, %arg7: memref<80x128xi32, #tpu.memory_space<vmem>>, %arg8: memref<128xi32, #tpu.memory_space<vmem>>, %arg9: memref<128xi32, #tpu.memory_space<vmem>>, %arg10: memref<128x128xf32, #tpu.memory_space<vmem>>, %arg11: memref<128x128xf32, #tpu.memory_space<vmem>>, %arg12: memref<!tpu.dma_semaphore, #tpu.memory_space<semaphore_mem>>, %arg13: memref<!tpu.dma_semaphore, #tpu.memory_space<semaphore_mem>>, %arg14: memref<!tpu.dma_semaphore, #tpu.memory_space<semaphore_mem>>, %arg15: memref<!tpu.dma_semaphore, #tpu.memory_space<semaphore_mem>>, %arg16: memref<!tpu.dma_semaphore, #tpu.memory_space<semaphore_mem>>) attributes {dimension_semantics = [#tpu.dimension_semantics<core_parallel>, #tpu.dimension_semantics<subcore_parallel>], iteration_bounds = array<i64: 2, 16>, scalar_prefetch = 0 : i64, scratch_operands = 11 : i64, tpu.core_type = #tpu.core_type<sc_vector_subcore>, window_params = [{transform_indices = #map}, {transform_indices = #map}, {transform_indices = #map}, {transform_indices = #map}]} {
    %broadcast_in_dim3A = arith.constant 0.000000e+00 : f32
    %broadcast_in_dim3A_0 = vector.broadcast %broadcast_in_dim3A : f32 to vector<16xf32>
    %dma_start3A = arith.constant 0 : i32
    %dma_start3A_1 = arith.constant 0 : i32
    %dma_start3A_2 = tpu.memref_slice %arg3[%arg1, %dma_start3A, %dma_start3A_1] : memref<16x80x128xi32, #tpu.memory_space<hbm>> -> memref<1x80x128xi32, #tpu.memory_space<hbm>>
    %dma_start3A_3 = tpu.memref_squeeze %dma_start3A_2 : memref<1x80x128xi32, #tpu.memory_space<hbm>> -> memref<80x128xi32, #tpu.memory_space<hbm>>
    %dma_start3A_4 = arith.constant 0 : i32
    %dma_start3A_5 = arith.constant 0 : i32
    %dma_start3A_6 = tpu.memref_slice %arg3[%arg1, %dma_start3A_4, %dma_start3A_5] : memref<16x80x128xi32, #tpu.memory_space<hbm>> -> memref<1x80x128xi32, #tpu.memory_space<hbm>>
    %dma_start3A_7 = tpu.memref_squeeze %dma_start3A_6 : memref<1x80x128xi32, #tpu.memory_space<hbm>> -> memref<80x128xi32, #tpu.memory_space<hbm>>
    tpu.enqueue_dma source(%dma_start3A_7 : memref<80x128xi32, #tpu.memory_space<hbm>>) target(%arg7 : memref<80x128xi32, #tpu.memory_space<vmem>>) target_semaphore(%arg16 : memref<!tpu.dma_semaphore, #tpu.memory_space<semaphore_mem>>)
    %scan3A = arith.constant 0 : i32
    %scan3A_8 = arith.constant 128 : i32
    %scan3A_9 = arith.addi %scan3A, %scan3A_8 : i32
    %scan3A_10 = arith.constant 1 : i32
    scf.for %scan3A_69 = %scan3A to %scan3A_9 step %scan3A_10  : i32 {
      %mul3A_70 = arith.constant 1 : i32
      %mul3A_71 = arith.muli %scan3A_69, %mul3A_70 : i32
      %add3A = arith.constant 0 : i32
      %add3A_72 = arith.addi %add3A, %mul3A_71 : i32
      %scan3A_73 = arith.constant 0 : i32
      %scan3A_74 = arith.constant 8 : i32
      %scan3A_75 = arith.addi %scan3A_73, %scan3A_74 : i32
      %scan3A_76 = arith.constant 1 : i32
      scf.for %scan3A_78 = %scan3A_73 to %scan3A_75 step %scan3A_76  : i32 {
        %mul3A_79 = arith.constant 1 : i32
        %mul3A_80 = arith.muli %scan3A_78, %mul3A_79 : i32
        %add3A_81 = arith.constant 0 : i32
        %add3A_82 = arith.addi %add3A_81, %mul3A_80 : i32
        %mul3A_83 = arith.constant 16 : i32
        %mul3A_84 = arith.muli %add3A_82, %mul3A_83 : i32
        %swap3A = arith.index_cast %add3A_72 : i32 to index
        %swap3A_85 = arith.index_cast %mul3A_84 : i32 to index
        %swap3A_86 = tpu.vector_load %arg10[%swap3A, %swap3A_85] {strides = array<i32>} : memref<128x128xf32, #tpu.memory_space<vmem>>, vector<16xf32>,
        tpu.vector_store %arg10[%swap3A, %swap3A_85], %broadcast_in_dim3A_0 {strides = array<i32>} : memref<128x128xf32, #tpu.memory_space<vmem>>, vector<16xf32>,
      }
      %scan3A_77 = arith.constant 8 : i32
    }
    %scan3A_11 = arith.constant 128 : i32
    %scan3A_12 = arith.constant 0 : i32
    %scan3A_13 = arith.constant 5 : i32
    %scan3A_14 = arith.addi %scan3A_12, %scan3A_13 : i32
    %scan3A_15 = arith.constant 1 : i32
    scf.for %scan3A_69 = %scan3A_12 to %scan3A_14 step %scan3A_15  : i32 {
      %mul3A_70 = arith.constant 1 : i32
      %mul3A_71 = arith.muli %scan3A_69, %mul3A_70 : i32
      %add3A = arith.constant 0 : i32
      %add3A_72 = arith.addi %add3A, %mul3A_71 : i32
      %mul3A_73 = arith.constant 640 : i32
      %mul3A_74 = arith.muli %arg1, %mul3A_73 : i32
      %mul3A_75 = arith.constant 128 : i32
      %mul3A_76 = arith.muli %add3A_72, %mul3A_75 : i32
      %add3A_77 = arith.addi %mul3A_74, %mul3A_76 : i32
      "tpu.region"() ({
        %run_scoped3A = tpu.sem_alloc : memref<!tpu.dma_semaphore, #tpu.memory_space<semaphore_mem>>
        %dma_start3A_78 = arith.constant 0 : i32
        %dma_start3A_79 = tpu.memref_slice %arg6[%add3A_77, %dma_start3A_78] : memref<10240x128xf32, #tpu.memory_space<vmem_shared>> -> memref<128x128xf32, #tpu.memory_space<vmem_shared>>
        %dma_start3A_80 = arith.constant 0 : i32
        %dma_start3A_81 = tpu.memref_slice %arg6[%add3A_77, %dma_start3A_80] : memref<10240x128xf32, #tpu.memory_space<vmem_shared>> -> memref<128x128xf32, #tpu.memory_space<vmem_shared>>
        tpu.enqueue_dma source(%arg10 : memref<128x128xf32, #tpu.memory_space<vmem>>) target(%dma_start3A_81 : memref<128x128xf32, #tpu.memory_space<vmem_shared>>) target_semaphore(%run_scoped3A : memref<!tpu.dma_semaphore, #tpu.memory_space<semaphore_mem>>)
        %dma_wait3A_82 = arith.constant 0 : i32
        %dma_wait3A_83 = tpu.memref_slice %arg6[%add3A_77, %dma_wait3A_82] : memref<10240x128xf32, #tpu.memory_space<vmem_shared>> -> memref<128x128xf32, #tpu.memory_space<vmem_shared>>
        %dma_wait3A_84 = arith.constant 0 : i32
        %dma_wait3A_85 = tpu.memref_slice %arg6[%add3A_77, %dma_wait3A_84] : memref<10240x128xf32, #tpu.memory_space<vmem_shared>> -> memref<128x128xf32, #tpu.memory_space<vmem_shared>>
        tpu.wait_dma2 semaphore(%run_scoped3A : memref<!tpu.dma_semaphore, #tpu.memory_space<semaphore_mem>>) src(%arg10 : memref<128x128xf32, #tpu.memory_space<vmem>>) dst(%dma_wait3A_85 : memref<128x128xf32, #tpu.memory_space<vmem_shared>>)
        tpu.yield
      }) : () -> ()
    }
    %scan3A_16 = arith.constant 5 : i32
    %dma_wait3A = arith.constant 0 : i32
    %dma_wait3A_17 = arith.constant 0 : i32
    %dma_wait3A_18 = tpu.memref_slice %arg3[%arg1, %dma_wait3A, %dma_wait3A_17] : memref<16x80x128xi32, #tpu.memory_space<hbm>> -> memref<1x80x128xi32, #tpu.memory_space<hbm>>
    %dma_wait3A_19 = tpu.memref_squeeze %dma_wait3A_18 : memref<1x80x128xi32, #tpu.memory_space<hbm>> -> memref<80x128xi32, #tpu.memory_space<hbm>>
    %dma_wait3A_20 = arith.constant 0 : i32
    %dma_wait3A_21 = arith.constant 0 : i32
    %dma_wait3A_22 = tpu.memref_slice %arg3[%arg1, %dma_wait3A_20, %dma_wait3A_21] : memref<16x80x128xi32, #tpu.memory_space<hbm>> -> memref<1x80x128xi32, #tpu.memory_space<hbm>>
    %dma_wait3A_23 = tpu.memref_squeeze %dma_wait3A_22 : memref<1x80x128xi32, #tpu.memory_space<hbm>> -> memref<80x128xi32, #tpu.memory_space<hbm>>
    tpu.wait_dma2 semaphore(%arg16 : memref<!tpu.dma_semaphore, #tpu.memory_space<semaphore_mem>>) src(%dma_wait3A_23 : memref<80x128xi32, #tpu.memory_space<hbm>>) dst(%arg7 : memref<80x128xi32, #tpu.memory_space<vmem>>)
    %barrier3A = arith.constant 0 : index
    tpu.barrier barrier_id(%barrier3A)
    %dma_start3A_24 = arith.constant 0 : i32
    %dma_start3A_25 = arith.constant 0 : i32
    %dma_start3A_26 = tpu.memref_slice %arg4[%arg1, %dma_start3A_24, %dma_start3A_25] : memref<16x80x128xi32, #tpu.memory_space<hbm>> -> memref<1x1x128xi32, #tpu.memory_space<hbm>>
    %dma_start3A_27 = tpu.memref_squeeze %dma_start3A_26 : memref<1x1x128xi32, #tpu.memory_space<hbm>> -> memref<128xi32, #tpu.memory_space<hbm>>
    %dma_start3A_28 = arith.constant 0 : i32
    %dma_start3A_29 = tpu.memref_slice %arg4[%arg1, %dma_start3A_24, %dma_start3A_28] : memref<16x80x128xi32, #tpu.memory_space<hbm>> -> memref<1x1x128xi32, #tpu.memory_space<hbm>>
    %dma_start3A_30 = tpu.memref_squeeze %dma_start3A_29 : memref<1x1x128xi32, #tpu.memory_space<hbm>> -> memref<128xi32, #tpu.memory_space<hbm>>
    tpu.enqueue_dma source(%dma_start3A_30 : memref<128xi32, #tpu.memory_space<hbm>>) target(%arg8 : memref<128xi32, #tpu.memory_space<vmem>>) target_semaphore(%arg14 : memref<!tpu.dma_semaphore, #tpu.memory_space<semaphore_mem>>)
    %dma_start3A_31 = arith.constant 1 : i32
    %dma_start3A_32 = arith.constant 0 : i32
    %dma_start3A_33 = tpu.memref_slice %arg4[%arg1, %dma_start3A_31, %dma_start3A_32] : memref<16x80x128xi32, #tpu.memory_space<hbm>> -> memref<1x1x128xi32, #tpu.memory_space<hbm>>
    %dma_start3A_34 = tpu.memref_squeeze %dma_start3A_33 : memref<1x1x128xi32, #tpu.memory_space<hbm>> -> memref<128xi32, #tpu.memory_space<hbm>>
    %dma_start3A_35 = arith.constant 0 : i32
    %dma_start3A_36 = tpu.memref_slice %arg4[%arg1, %dma_start3A_31, %dma_start3A_35] : memref<16x80x128xi32, #tpu.memory_space<hbm>> -> memref<1x1x128xi32, #tpu.memory_space<hbm>>
    %dma_start3A_37 = tpu.memref_squeeze %dma_start3A_36 : memref<1x1x128xi32, #tpu.memory_space<hbm>> -> memref<128xi32, #tpu.memory_space<hbm>>
    tpu.enqueue_dma source(%dma_start3A_37 : memref<128xi32, #tpu.memory_space<hbm>>) target(%arg9 : memref<128xi32, #tpu.memory_space<vmem>>) target_semaphore(%arg15 : memref<!tpu.dma_semaphore, #tpu.memory_space<semaphore_mem>>)
    %dma_start3A_38 = arith.constant 0 : i32
    %dma_start3A_39 = arith.constant 0 : i32
    %dma_start3A_40 = tpu.memref_slice %arg7[%dma_start3A_38, %dma_start3A_39] : memref<80x128xi32, #tpu.memory_space<vmem>> -> memref<1x128xi32, #tpu.memory_space<vmem>>
    %dma_start3A_41 = tpu.memref_squeeze %dma_start3A_40 : memref<1x128xi32, #tpu.memory_space<vmem>> -> memref<128xi32, #tpu.memory_space<vmem>>
    %dma_start3A_42 = arith.constant 0 : i32
    %dma_start3A_43 = arith.constant 0 : i32
    %dma_start3A_44 = tpu.memref_slice %arg2[%arg0, %dma_start3A_42, %dma_start3A_43] : memref<2x10240x128xf32, #tpu.memory_space<hbm>> -> memref<1x10240x128xf32, #tpu.memory_space<hbm>>
    %dma_start3A_45 = tpu.memref_squeeze %dma_start3A_44 : memref<1x10240x128xf32, #tpu.memory_space<hbm>> -> memref<10240x128xf32, #tpu.memory_space<hbm>>
    %dma_start3A_46 = arith.constant 0 : i32
    %dma_start3A_47 = arith.constant 0 : i32
    %dma_start3A_48 = tpu.memref_slice %dma_start3A_45[%dma_start3A_46, %dma_start3A_47] : memref<10240x128xf32, #tpu.memory_space<hbm>> -> memref<10240x128xf32, #tpu.memory_space<hbm>>
    tpu.enqueue_indirect_dma source(%dma_start3A_48 : memref<10240x128xf32, #tpu.memory_space<hbm>>) target(%arg10 : memref<128x128xf32, #tpu.memory_space<vmem>>) offsets(%dma_start3A_41 : memref<128xi32, #tpu.memory_space<vmem>>) semaphore(%arg12 : memref<!tpu.dma_semaphore, #tpu.memory_space<semaphore_mem>>)
    %dma_start3A_49 = arith.constant 1 : i32
    %dma_start3A_50 = arith.constant 0 : i32
    %dma_start3A_51 = tpu.memref_slice %arg7[%dma_start3A_49, %dma_start3A_50] : memref<80x128xi32, #tpu.memory_space<vmem>> -> memref<1x128xi32, #tpu.memory_space<vmem>>
    %dma_start3A_52 = tpu.memref_squeeze %dma_start3A_51 : memref<1x128xi32, #tpu.memory_space<vmem>> -> memref<128xi32, #tpu.memory_space<vmem>>
    %dma_start3A_53 = arith.constant 0 : i32
    %dma_start3A_54 = arith.constant 0 : i32
    %dma_start3A_55 = tpu.memref_slice %arg2[%arg0, %dma_start3A_53, %dma_start3A_54] : memref<2x10240x128xf32, #tpu.memory_space<hbm>> -> memref<1x10240x128xf32, #tpu.memory_space<hbm>>
    %dma_start3A_56 = tpu.memref_squeeze %dma_start3A_55 : memref<1x10240x128xf32, #tpu.memory_space<hbm>> -> memref<10240x128xf32, #tpu.memory_space<hbm>>
    %dma_start3A_57 = arith.constant 0 : i32
    %dma_start3A_58 = arith.constant 0 : i32
    %dma_start3A_59 = tpu.memref_slice %dma_start3A_56[%dma_start3A_57, %dma_start3A_58] : memref<10240x128xf32, #tpu.memory_space<hbm>> -> memref<10240x128xf32, #tpu.memory_space<hbm>>
    tpu.enqueue_indirect_dma source(%dma_start3A_59 : memref<10240x128xf32, #tpu.memory_space<hbm>>) target(%arg11 : memref<128x128xf32, #tpu.memory_space<vmem>>) offsets(%dma_start3A_52 : memref<128xi32, #tpu.memory_space<vmem>>) semaphore(%arg13 : memref<!tpu.dma_semaphore, #tpu.memory_space<semaphore_mem>>)
    %scan3A_60 = arith.constant 0 : i32
    %scan3A_61 = arith.constant 40 : i32
    %scan3A_62 = arith.addi %scan3A_60, %scan3A_61 : i32
    %scan3A_63 = arith.constant 1 : i32
    scf.for %scan3A_69 = %scan3A_60 to %scan3A_62 step %scan3A_63  : i32 {
      %mul3A_70 = arith.constant 1 : i32
      %mul3A_71 = arith.muli %scan3A_69, %mul3A_70 : i32
      %add3A = arith.constant 0 : i32
      %add3A_72 = arith.addi %add3A, %mul3A_71 : i32
      %mul3A_73 = arith.constant 2 : i32
      %mul3A_74 = arith.muli %add3A_72, %mul3A_73 : i32
      %add3A_75 = arith.constant 0 : i32
      %add3A_76 = arith.addi %mul3A_74, %add3A_75 : i32
      %dma_wait3A_77 = arith.constant 0 : i32
      %dma_wait3A_78 = tpu.memref_slice %arg7[%add3A_76, %dma_wait3A_77] : memref<80x128xi32, #tpu.memory_space<vmem>> -> memref<1x128xi32, #tpu.memory_space<vmem>>
      %dma_wait3A_79 = tpu.memref_squeeze %dma_wait3A_78 : memref<1x128xi32, #tpu.memory_space<vmem>> -> memref<128xi32, #tpu.memory_space<vmem>>
      %dma_wait3A_80 = arith.constant 0 : i32
      %dma_wait3A_81 = arith.constant 0 : i32
      %dma_wait3A_82 = tpu.memref_slice %arg2[%arg0, %dma_wait3A_80, %dma_wait3A_81] : memref<2x10240x128xf32, #tpu.memory_space<hbm>> -> memref<1x10240x128xf32, #tpu.memory_space<hbm>>
      %dma_wait3A_83 = tpu.memref_squeeze %dma_wait3A_82 : memref<1x10240x128xf32, #tpu.memory_space<hbm>> -> memref<10240x128xf32, #tpu.memory_space<hbm>>
      %dma_wait3A_84 = arith.constant 0 : i32
      %dma_wait3A_85 = arith.constant 0 : i32
      %dma_wait3A_86 = tpu.memref_slice %dma_wait3A_83[%dma_wait3A_84, %dma_wait3A_85] : memref<10240x128xf32, #tpu.memory_space<hbm>> -> memref<10240x128xf32, #tpu.memory_space<hbm>>
      tpu.wait_indirect_dma semaphore(%arg12 : memref<!tpu.dma_semaphore, #tpu.memory_space<semaphore_mem>>) src(%dma_wait3A_86 : memref<10240x128xf32, #tpu.memory_space<hbm>>) dst(%arg10 : memref<128x128xf32, #tpu.memory_space<vmem>>)
      %add3A_87 = arith.constant 0 : i32
      %add3A_88 = arith.addi %mul3A_74, %add3A_87 : i32
      %dma_wait3A_89 = arith.constant 0 : i32
      %dma_wait3A_90 = tpu.memref_slice %arg4[%arg1, %add3A_88, %dma_wait3A_89] : memref<16x80x128xi32, #tpu.memory_space<hbm>> -> memref<1x1x128xi32, #tpu.memory_space<hbm>>
      %dma_wait3A_91 = tpu.memref_squeeze %dma_wait3A_90 : memref<1x1x128xi32, #tpu.memory_space<hbm>> -> memref<128xi32, #tpu.memory_space<hbm>>
      %dma_wait3A_92 = arith.constant 0 : i32
      %dma_wait3A_93 = tpu.memref_slice %arg4[%arg1, %add3A_88, %dma_wait3A_92] : memref<16x80x128xi32, #tpu.memory_space<hbm>> -> memref<1x1x128xi32, #tpu.memory_space<hbm>>
      %dma_wait3A_94 = tpu.memref_squeeze %dma_wait3A_93 : memref<1x1x128xi32, #tpu.memory_space<hbm>> -> memref<128xi32, #tpu.memory_space<hbm>>
      tpu.wait_dma2 semaphore(%arg14 : memref<!tpu.dma_semaphore, #tpu.memory_space<semaphore_mem>>) src(%dma_wait3A_94 : memref<128xi32, #tpu.memory_space<hbm>>) dst(%arg8 : memref<128xi32, #tpu.memory_space<vmem>>)
      "tpu.region"() ({
        %run_scoped3A = tpu.sem_alloc : memref<!tpu.dma_semaphore, #tpu.memory_space<semaphore_mem>>
        %dma_start3A_130 = arith.constant 0 : i32
        %dma_start3A_131 = arith.constant 0 : i32
        %dma_start3A_132 = tpu.memref_slice %arg6[%dma_start3A_130, %dma_start3A_131] : memref<10240x128xf32, #tpu.memory_space<vmem_shared>> -> memref<10240x128xf32, #tpu.memory_space<vmem_shared>>
        tpu.enqueue_indirect_dma source(%arg10 : memref<128x128xf32, #tpu.memory_space<vmem>>) target(%dma_start3A_132 : memref<10240x128xf32, #tpu.memory_space<vmem_shared>>) offsets(%arg8 : memref<128xi32, #tpu.memory_space<vmem>>) semaphore(%run_scoped3A : memref<!tpu.dma_semaphore, #tpu.memory_space<semaphore_mem>>) {add = true}
        %dma_wait3A_133 = arith.constant 0 : i32
        %dma_wait3A_134 = arith.constant 0 : i32
        %dma_wait3A_135 = tpu.memref_slice %arg6[%dma_wait3A_133, %dma_wait3A_134] : memref<10240x128xf32, #tpu.memory_space<vmem_shared>> -> memref<10240x128xf32, #tpu.memory_space<vmem_shared>>
        tpu.wait_indirect_dma semaphore(%run_scoped3A : memref<!tpu.dma_semaphore, #tpu.memory_space<semaphore_mem>>) src(%arg10 : memref<128x128xf32, #tpu.memory_space<vmem>>) dst(%dma_wait3A_135 : memref<10240x128xf32, #tpu.memory_space<vmem_shared>>)
        tpu.yield
      }) : () -> ()
      %add3A_95 = arith.constant 0 : i32
      %add3A_96 = arith.addi %mul3A_74, %add3A_95 : i32
      %add3A_97 = arith.constant 2 : i32
      %add3A_98 = arith.addi %add3A_96, %add3A_97 : i32
      %lt3A = arith.constant 80 : i32
      %lt3A_99 = arith.cmpi slt, %add3A_98, %lt3A : i32
      %convert_element_type3A = arith.extui %lt3A_99 : i1 to i32
      %cond3A = arith.constant 0 : i32
      %cond3A_100 = arith.cmpi ne, %convert_element_type3A, %cond3A : i32
      scf.if %cond3A_100 {
        %add3A_130 = arith.constant 0 : i32
        %add3A_131 = arith.addi %mul3A_74, %add3A_130 : i32
        %add3A_132 = arith.constant 2 : i32
        %add3A_133 = arith.addi %add3A_131, %add3A_132 : i32
        %dma_start3A_134 = arith.constant 0 : i32
        %dma_start3A_135 = tpu.memref_slice %arg4[%arg1, %add3A_133, %dma_start3A_134] : memref<16x80x128xi32, #tpu.memory_space<hbm>> -> memref<1x1x128xi32, #tpu.memory_space<hbm>>
        %dma_start3A_136 = tpu.memref_squeeze %dma_start3A_135 : memref<1x1x128xi32, #tpu.memory_space<hbm>> -> memref<128xi32, #tpu.memory_space<hbm>>
        %dma_start3A_137 = arith.constant 0 : i32
        %dma_start3A_138 = tpu.memref_slice %arg4[%arg1, %add3A_133, %dma_start3A_137] : memref<16x80x128xi32, #tpu.memory_space<hbm>> -> memref<1x1x128xi32, #tpu.memory_space<hbm>>
        %dma_start3A_139 = tpu.memref_squeeze %dma_start3A_138 : memref<1x1x128xi32, #tpu.memory_space<hbm>> -> memref<128xi32, #tpu.memory_space<hbm>>
        tpu.enqueue_dma source(%dma_start3A_139 : memref<128xi32, #tpu.memory_space<hbm>>) target(%arg8 : memref<128xi32, #tpu.memory_space<vmem>>) target_semaphore(%arg14 : memref<!tpu.dma_semaphore, #tpu.memory_space<semaphore_mem>>)
        %add3A_140 = arith.constant 0 : i32
        %add3A_141 = arith.addi %mul3A_74, %add3A_140 : i32
        %add3A_142 = arith.constant 2 : i32
        %add3A_143 = arith.addi %add3A_141, %add3A_142 : i32
        %dma_start3A_144 = arith.constant 0 : i32
        %dma_start3A_145 = tpu.memref_slice %arg7[%add3A_143, %dma_start3A_144] : memref<80x128xi32, #tpu.memory_space<vmem>> -> memref<1x128xi32, #tpu.memory_space<vmem>>
        %dma_start3A_146 = tpu.memref_squeeze %dma_start3A_145 : memref<1x128xi32, #tpu.memory_space<vmem>> -> memref<128xi32, #tpu.memory_space<vmem>>
        %dma_start3A_147 = arith.constant 0 : i32
        %dma_start3A_148 = arith.constant 0 : i32
        %dma_start3A_149 = tpu.memref_slice %arg2[%arg0, %dma_start3A_147, %dma_start3A_148] : memref<2x10240x128xf32, #tpu.memory_space<hbm>> -> memref<1x10240x128xf32, #tpu.memory_space<hbm>>
        %dma_start3A_150 = tpu.memref_squeeze %dma_start3A_149 : memref<1x10240x128xf32, #tpu.memory_space<hbm>> -> memref<10240x128xf32, #tpu.memory_space<hbm>>
        %dma_start3A_151 = arith.constant 0 : i32
        %dma_start3A_152 = arith.constant 0 : i32
        %dma_start3A_153 = tpu.memref_slice %dma_start3A_150[%dma_start3A_151, %dma_start3A_152] : memref<10240x128xf32, #tpu.memory_space<hbm>> -> memref<10240x128xf32, #tpu.memory_space<hbm>>
        tpu.enqueue_indirect_dma source(%dma_start3A_153 : memref<10240x128xf32, #tpu.memory_space<hbm>>) target(%arg10 : memref<128x128xf32, #tpu.memory_space<vmem>>) offsets(%dma_start3A_146 : memref<128xi32, #tpu.memory_space<vmem>>) semaphore(%arg12 : memref<!tpu.dma_semaphore, #tpu.memory_space<semaphore_mem>>)
      } else {
      }
      %add3A_101 = arith.constant 1 : i32
      %add3A_102 = arith.addi %mul3A_74, %add3A_101 : i32
      %dma_wait3A_103 = arith.constant 0 : i32
      %dma_wait3A_104 = tpu.memref_slice %arg7[%add3A_102, %dma_wait3A_103] : memref<80x128xi32, #tpu.memory_space<vmem>> -> memref<1x128xi32, #tpu.memory_space<vmem>>
      %dma_wait3A_105 = tpu.memref_squeeze %dma_wait3A_104 : memref<1x128xi32, #tpu.memory_space<vmem>> -> memref<128xi32, #tpu.memory_space<vmem>>
      %dma_wait3A_106 = arith.constant 0 : i32
      %dma_wait3A_107 = arith.constant 0 : i32
      %dma_wait3A_108 = tpu.memref_slice %arg2[%arg0, %dma_wait3A_106, %dma_wait3A_107] : memref<2x10240x128xf32, #tpu.memory_space<hbm>> -> memref<1x10240x128xf32, #tpu.memory_space<hbm>>
      %dma_wait3A_109 = tpu.memref_squeeze %dma_wait3A_108 : memref<1x10240x128xf32, #tpu.memory_space<hbm>> -> memref<10240x128xf32, #tpu.memory_space<hbm>>
      %dma_wait3A_110 = arith.constant 0 : i32
      %dma_wait3A_111 = arith.constant 0 : i32
      %dma_wait3A_112 = tpu.memref_slice %dma_wait3A_109[%dma_wait3A_110, %dma_wait3A_111] : memref<10240x128xf32, #tpu.memory_space<hbm>> -> memref<10240x128xf32, #tpu.memory_space<hbm>>
      tpu.wait_indirect_dma semaphore(%arg13 : memref<!tpu.dma_semaphore, #tpu.memory_space<semaphore_mem>>) src(%dma_wait3A_112 : memref<10240x128xf32, #tpu.memory_space<hbm>>) dst(%arg11 : memref<128x128xf32, #tpu.memory_space<vmem>>)
      %add3A_113 = arith.constant 1 : i32
      %add3A_114 = arith.addi %mul3A_74, %add3A_113 : i32
      %dma_wait3A_115 = arith.constant 0 : i32
      %dma_wait3A_116 = tpu.memref_slice %arg4[%arg1, %add3A_114, %dma_wait3A_115] : memref<16x80x128xi32, #tpu.memory_space<hbm>> -> memref<1x1x128xi32, #tpu.memory_space<hbm>>
      %dma_wait3A_117 = tpu.memref_squeeze %dma_wait3A_116 : memref<1x1x128xi32, #tpu.memory_space<hbm>> -> memref<128xi32, #tpu.memory_space<hbm>>
      %dma_wait3A_118 = arith.constant 0 : i32
      %dma_wait3A_119 = tpu.memref_slice %arg4[%arg1, %add3A_114, %dma_wait3A_118] : memref<16x80x128xi32, #tpu.memory_space<hbm>> -> memref<1x1x128xi32, #tpu.memory_space<hbm>>
      %dma_wait3A_120 = tpu.memref_squeeze %dma_wait3A_119 : memref<1x1x128xi32, #tpu.memory_space<hbm>> -> memref<128xi32, #tpu.memory_space<hbm>>
      tpu.wait_dma2 semaphore(%arg15 : memref<!tpu.dma_semaphore, #tpu.memory_space<semaphore_mem>>) src(%dma_wait3A_120 : memref<128xi32, #tpu.memory_space<hbm>>) dst(%arg9 : memref<128xi32, #tpu.memory_space<vmem>>)
      "tpu.region"() ({
        %run_scoped3A = tpu.sem_alloc : memref<!tpu.dma_semaphore, #tpu.memory_space<semaphore_mem>>
        %dma_start3A_130 = arith.constant 0 : i32
        %dma_start3A_131 = arith.constant 0 : i32
        %dma_start3A_132 = tpu.memref_slice %arg6[%dma_start3A_130, %dma_start3A_131] : memref<10240x128xf32, #tpu.memory_space<vmem_shared>> -> memref<10240x128xf32, #tpu.memory_space<vmem_shared>>
        tpu.enqueue_indirect_dma source(%arg11 : memref<128x128xf32, #tpu.memory_space<vmem>>) target(%dma_start3A_132 : memref<10240x128xf32, #tpu.memory_space<vmem_shared>>) offsets(%arg9 : memref<128xi32, #tpu.memory_space<vmem>>) semaphore(%run_scoped3A : memref<!tpu.dma_semaphore, #tpu.memory_space<semaphore_mem>>) {add = true}
        %dma_wait3A_133 = arith.constant 0 : i32
        %dma_wait3A_134 = arith.constant 0 : i32
        %dma_wait3A_135 = tpu.memref_slice %arg6[%dma_wait3A_133, %dma_wait3A_134] : memref<10240x128xf32, #tpu.memory_space<vmem_shared>> -> memref<10240x128xf32, #tpu.memory_space<vmem_shared>>
        tpu.wait_indirect_dma semaphore(%run_scoped3A : memref<!tpu.dma_semaphore, #tpu.memory_space<semaphore_mem>>) src(%arg11 : memref<128x128xf32, #tpu.memory_space<vmem>>) dst(%dma_wait3A_135 : memref<10240x128xf32, #tpu.memory_space<vmem_shared>>)
        tpu.yield
      }) : () -> ()
      %add3A_121 = arith.constant 1 : i32
      %add3A_122 = arith.addi %mul3A_74, %add3A_121 : i32
      %add3A_123 = arith.constant 2 : i32
      %add3A_124 = arith.addi %add3A_122, %add3A_123 : i32
      %lt3A_125 = arith.constant 80 : i32
      %lt3A_126 = arith.cmpi slt, %add3A_124, %lt3A_125 : i32
      %convert_element_type3A_127 = arith.extui %lt3A_126 : i1 to i32
      %cond3A_128 = arith.constant 0 : i32
      %cond3A_129 = arith.cmpi ne, %convert_element_type3A_127, %cond3A_128 : i32
      scf.if %cond3A_129 {
        %add3A_130 = arith.constant 1 : i32
        %add3A_131 = arith.addi %mul3A_74, %add3A_130 : i32
        %add3A_132 = arith.constant 2 : i32
        %add3A_133 = arith.addi %add3A_131, %add3A_132 : i32
        %dma_start3A_134 = arith.constant 0 : i32
        %dma_start3A_135 = tpu.memref_slice %arg4[%arg1, %add3A_133, %dma_start3A_134] : memref<16x80x128xi32, #tpu.memory_space<hbm>> -> memref<1x1x128xi32, #tpu.memory_space<hbm>>
        %dma_start3A_136 = tpu.memref_squeeze %dma_start3A_135 : memref<1x1x128xi32, #tpu.memory_space<hbm>> -> memref<128xi32, #tpu.memory_space<hbm>>
        %dma_start3A_137 = arith.constant 0 : i32
        %dma_start3A_138 = tpu.memref_slice %arg4[%arg1, %add3A_133, %dma_start3A_137] : memref<16x80x128xi32, #tpu.memory_space<hbm>> -> memref<1x1x128xi32, #tpu.memory_space<hbm>>
        %dma_start3A_139 = tpu.memref_squeeze %dma_start3A_138 : memref<1x1x128xi32, #tpu.memory_space<hbm>> -> memref<128xi32, #tpu.memory_space<hbm>>
        tpu.enqueue_dma source(%dma_start3A_139 : memref<128xi32, #tpu.memory_space<hbm>>) target(%arg9 : memref<128xi32, #tpu.memory_space<vmem>>) target_semaphore(%arg15 : memref<!tpu.dma_semaphore, #tpu.memory_space<semaphore_mem>>)
        %add3A_140 = arith.constant 1 : i32
        %add3A_141 = arith.addi %mul3A_74, %add3A_140 : i32
        %add3A_142 = arith.constant 2 : i32
        %add3A_143 = arith.addi %add3A_141, %add3A_142 : i32
        %dma_start3A_144 = arith.constant 0 : i32
        %dma_start3A_145 = tpu.memref_slice %arg7[%add3A_143, %dma_start3A_144] : memref<80x128xi32, #tpu.memory_space<vmem>> -> memref<1x128xi32, #tpu.memory_space<vmem>>
        %dma_start3A_146 = tpu.memref_squeeze %dma_start3A_145 : memref<1x128xi32, #tpu.memory_space<vmem>> -> memref<128xi32, #tpu.memory_space<vmem>>
        %dma_start3A_147 = arith.constant 0 : i32
        %dma_start3A_148 = arith.constant 0 : i32
        %dma_start3A_149 = tpu.memref_slice %arg2[%arg0, %dma_start3A_147, %dma_start3A_148] : memref<2x10240x128xf32, #tpu.memory_space<hbm>> -> memref<1x10240x128xf32, #tpu.memory_space<hbm>>
        %dma_start3A_150 = tpu.memref_squeeze %dma_start3A_149 : memref<1x10240x128xf32, #tpu.memory_space<hbm>> -> memref<10240x128xf32, #tpu.memory_space<hbm>>
        %dma_start3A_151 = arith.constant 0 : i32
        %dma_start3A_152 = arith.constant 0 : i32
        %dma_start3A_153 = tpu.memref_slice %dma_start3A_150[%dma_start3A_151, %dma_start3A_152] : memref<10240x128xf32, #tpu.memory_space<hbm>> -> memref<10240x128xf32, #tpu.memory_space<hbm>>
        tpu.enqueue_indirect_dma source(%dma_start3A_153 : memref<10240x128xf32, #tpu.memory_space<hbm>>) target(%arg11 : memref<128x128xf32, #tpu.memory_space<vmem>>) offsets(%dma_start3A_146 : memref<128xi32, #tpu.memory_space<vmem>>) semaphore(%arg13 : memref<!tpu.dma_semaphore, #tpu.memory_space<semaphore_mem>>)
      } else {
      }
    }
    %scan3A_64 = arith.constant 40 : i32
    %barrier3A_65 = arith.constant 0 : index
    tpu.barrier barrier_id(%barrier3A_65)
    %mul3A = arith.constant 640 : i32
    %mul3A_66 = arith.muli %arg1, %mul3A : i32
    %mul3A_67 = arith.constant 640 : i32
    %mul3A_68 = arith.muli %arg1, %mul3A_67 : i32
    "tpu.region"() ({
      %run_scoped3A = tpu.sem_alloc : memref<!tpu.dma_semaphore, #tpu.memory_space<semaphore_mem>>
      %dma_start3A_69 = arith.constant 0 : i32
      %dma_start3A_70 = tpu.memref_slice %arg5[%arg0, %mul3A_68, %dma_start3A_69] : memref<2x10240x128xf32, #tpu.memory_space<hbm>> -> memref<1x640x128xf32, #tpu.memory_space<hbm>>
      %dma_start3A_71 = tpu.memref_squeeze %dma_start3A_70 : memref<1x640x128xf32, #tpu.memory_space<hbm>> -> memref<640x128xf32, #tpu.memory_space<hbm>>
      %dma_start3A_72 = arith.constant 0 : i32
      %dma_start3A_73 = tpu.memref_slice %arg6[%mul3A_66, %dma_start3A_72] : memref<10240x128xf32, #tpu.memory_space<vmem_shared>> -> memref<640x128xf32, #tpu.memory_space<vmem_shared>>
      tpu.enqueue_dma source(%dma_start3A_73 : memref<640x128xf32, #tpu.memory_space<vmem_shared>>) target(%dma_start3A_71 : memref<640x128xf32, #tpu.memory_space<hbm>>) target_semaphore(%run_scoped3A : memref<!tpu.dma_semaphore, #tpu.memory_space<semaphore_mem>>)
      %dma_wait3A_74 = arith.constant 0 : i32
      %dma_wait3A_75 = tpu.memref_slice %arg5[%arg0, %mul3A_68, %dma_wait3A_74] : memref<2x10240x128xf32, #tpu.memory_space<hbm>> -> memref<1x640x128xf32, #tpu.memory_space<hbm>>
      %dma_wait3A_76 = tpu.memref_squeeze %dma_wait3A_75 : memref<1x640x128xf32, #tpu.memory_space<hbm>> -> memref<640x128xf32, #tpu.memory_space<hbm>>
      %dma_wait3A_77 = arith.constant 0 : i32
      %dma_wait3A_78 = tpu.memref_slice %arg6[%mul3A_66, %dma_wait3A_77] : memref<10240x128xf32, #tpu.memory_space<vmem_shared>> -> memref<640x128xf32, #tpu.memory_space<vmem_shared>>
      tpu.wait_dma2 semaphore(%run_scoped3A : memref<!tpu.dma_semaphore, #tpu.memory_space<semaphore_mem>>) src(%dma_wait3A_78 : memref<640x128xf32, #tpu.memory_space<vmem_shared>>) dst(%dma_wait3A_76 : memref<640x128xf32, #tpu.memory_space<hbm>>)
      tpu.yield
    }) : () -> ()
    return
  }
}

#map = affine_map<(d0, d1) -> (0)>
#map1 = affine_map<(d0, d1) -> (0, 0, 0)>
module attributes {stable_mosaic.version = 14 : i64} {
  func.func @_hist_body(%arg0: i32, %arg1: i32, %arg2: memref<160000xi32, #tpu.memory_space<hbm>>, %arg3: memref<160000xi32, #tpu.memory_space<hbm>>, %arg4: memref<2x32x10000xi32, #tpu.memory_space<hbm>>, %arg5: memref<10000xi32, #tpu.memory_space<vmem>>, %arg6: memref<10000xi32, #tpu.memory_space<vmem>>, %arg7: memref<1008xi32, #tpu.memory_space<vmem>>, %arg8: memref<1008xi32, #tpu.memory_space<vmem>>) attributes {dimension_semantics = [#tpu.dimension_semantics<core_parallel>, #tpu.dimension_semantics<subcore_parallel>], iteration_bounds = array<i64: 2, 16>, scalar_prefetch = 0 : i64, scratch_operands = 4 : i64, tpu.core_type = #tpu.core_type<sc_vector_subcore>, window_params = [{transform_indices = #map}, {transform_indices = #map}, {transform_indices = #map1}]} {
    %mul3A = arith.constant 2 : i32
    %mul3A_0 = arith.muli %arg1, %mul3A : i32
    %add3A = arith.addi %mul3A_0, %arg0 : i32
    %broadcast_in_dim3A = arith.constant 0 : i32
    %broadcast_in_dim3A_1 = vector.broadcast %broadcast_in_dim3A : i32 to vector<16xi32>
    %scan3A = arith.constant 0 : i32
    %scan3A_2 = arith.constant 625 : i32
    %scan3A_3 = arith.addi %scan3A, %scan3A_2 : i32
    %scan3A_4 = arith.constant 1 : i32
    scf.for %scan3A_21 = %scan3A to %scan3A_3 step %scan3A_4  : i32 {
      %mul3A_22 = arith.constant 1 : i32
      %mul3A_23 = arith.muli %scan3A_21, %mul3A_22 : i32
      %add3A_24 = arith.constant 0 : i32
      %add3A_25 = arith.addi %add3A_24, %mul3A_23 : i32
      %mul3A_26 = arith.constant 16 : i32
      %mul3A_27 = arith.muli %add3A_25, %mul3A_26 : i32
      %swap3A_28 = arith.index_cast %mul3A_27 : i32 to index
      %swap3A_29 = tpu.vector_load %arg5[%swap3A_28] {strides = array<i32>} : memref<10000xi32, #tpu.memory_space<vmem>>, vector<16xi32>,
      tpu.vector_store %arg5[%swap3A_28], %broadcast_in_dim3A_1 {strides = array<i32>} : memref<10000xi32, #tpu.memory_space<vmem>>, vector<16xi32>,
      %mul3A_30 = arith.constant 16 : i32
      %mul3A_31 = arith.muli %add3A_25, %mul3A_30 : i32
      %swap3A_32 = arith.index_cast %mul3A_31 : i32 to index
      %swap3A_33 = tpu.vector_load %arg6[%swap3A_32] {strides = array<i32>} : memref<10000xi32, #tpu.memory_space<vmem>>, vector<16xi32>,
      tpu.vector_store %arg6[%swap3A_32], %broadcast_in_dim3A_1 {strides = array<i32>} : memref<10000xi32, #tpu.memory_space<vmem>>, vector<16xi32>,
    }
    %scan3A_5 = arith.constant 625 : i32
    %swap3A = arith.constant 992 : index
    %swap3A_6 = tpu.vector_load %arg7[%swap3A] {strides = array<i32>} : memref<1008xi32, #tpu.memory_space<vmem>>, vector<16xi32>,
    tpu.vector_store %arg7[%swap3A], %broadcast_in_dim3A_1 {strides = array<i32>} : memref<1008xi32, #tpu.memory_space<vmem>>, vector<16xi32>,
    %swap3A_7 = arith.constant 992 : index
    %swap3A_8 = tpu.vector_load %arg8[%swap3A_7] {strides = array<i32>} : memref<1008xi32, #tpu.memory_space<vmem>>, vector<16xi32>,
    tpu.vector_store %arg8[%swap3A_7], %broadcast_in_dim3A_1 {strides = array<i32>} : memref<1008xi32, #tpu.memory_space<vmem>>, vector<16xi32>,
    %broadcast_in_dim3A_9 = arith.constant 1 : i32
    %broadcast_in_dim3A_10 = vector.broadcast %broadcast_in_dim3A_9 : i32 to vector<16xi32>
    %iota3A = tpu.iota {dimensions = array<i32: 0>} : vector<16xi32>
    %lt3A = arith.constant 8 : i32
    %lt3A_11 = vector.broadcast %lt3A : i32 to vector<16xi32>
    %lt3A_12 = arith.cmpi slt, %iota3A, %lt3A_11 : vector<16xi32>
    %mul3A_13 = arith.constant 5000 : i32
    %mul3A_14 = arith.muli %add3A, %mul3A_13 : i32
    %scan3A_15 = arith.constant 0 : i32
    %scan3A_16 = arith.constant 5 : i32
    %scan3A_17 = arith.addi %scan3A_15, %scan3A_16 : i32
    %scan3A_18 = arith.constant 1 : i32
    scf.for %scan3A_21 = %scan3A_15 to %scan3A_17 step %scan3A_18  : i32 {
      %mul3A_22 = arith.constant 1 : i32
      %mul3A_23 = arith.muli %scan3A_21, %mul3A_22 : i32
      %add3A_24 = arith.constant 0 : i32
      %add3A_25 = arith.addi %add3A_24, %mul3A_23 : i32
      %mul3A_26 = arith.constant 1000 : i32
      %mul3A_27 = arith.muli %add3A_25, %mul3A_26 : i32
      %add3A_28 = arith.addi %mul3A_14, %mul3A_27 : i32
      "tpu.region"() ({
        %run_scoped3A_37 = tpu.sem_alloc : memref<!tpu.dma_semaphore, #tpu.memory_space<semaphore_mem>>
        %dma_start3A = arith.constant 0 : i32
        %dma_start3A_38 = tpu.memref_slice %arg7[%dma_start3A] : memref<1008xi32, #tpu.memory_space<vmem>> -> memref<1000xi32, #tpu.memory_space<vmem>>
        %dma_start3A_39 = tpu.memref_slice %arg2[%add3A_28] : memref<160000xi32, #tpu.memory_space<hbm>> -> memref<1000xi32, #tpu.memory_space<hbm>>
        %dma_start3A_40 = arith.constant 0 : i32
        %dma_start3A_41 = tpu.memref_slice %arg7[%dma_start3A_40] : memref<1008xi32, #tpu.memory_space<vmem>> -> memref<1000xi32, #tpu.memory_space<vmem>>
        %dma_start3A_42 = tpu.memref_slice %arg2[%add3A_28] : memref<160000xi32, #tpu.memory_space<hbm>> -> memref<1000xi32, #tpu.memory_space<hbm>>
        tpu.enqueue_dma source(%dma_start3A_42 : memref<1000xi32, #tpu.memory_space<hbm>>) target(%dma_start3A_41 : memref<1000xi32, #tpu.memory_space<vmem>>) target_semaphore(%run_scoped3A_37 : memref<!tpu.dma_semaphore, #tpu.memory_space<semaphore_mem>>)
        %dma_wait3A = arith.constant 0 : i32
        %dma_wait3A_43 = tpu.memref_slice %arg7[%dma_wait3A] : memref<1008xi32, #tpu.memory_space<vmem>> -> memref<1000xi32, #tpu.memory_space<vmem>>
        %dma_wait3A_44 = tpu.memref_slice %arg2[%add3A_28] : memref<160000xi32, #tpu.memory_space<hbm>> -> memref<1000xi32, #tpu.memory_space<hbm>>
        %dma_wait3A_45 = arith.constant 0 : i32
        %dma_wait3A_46 = tpu.memref_slice %arg7[%dma_wait3A_45] : memref<1008xi32, #tpu.memory_space<vmem>> -> memref<1000xi32, #tpu.memory_space<vmem>>
        %dma_wait3A_47 = tpu.memref_slice %arg2[%add3A_28] : memref<160000xi32, #tpu.memory_space<hbm>> -> memref<1000xi32, #tpu.memory_space<hbm>>
        tpu.wait_dma2 semaphore(%run_scoped3A_37 : memref<!tpu.dma_semaphore, #tpu.memory_space<semaphore_mem>>) src(%dma_wait3A_47 : memref<1000xi32, #tpu.memory_space<hbm>>) dst(%dma_wait3A_46 : memref<1000xi32, #tpu.memory_space<vmem>>)
        tpu.yield
      }) : () -> ()
      "tpu.region"() ({
        %run_scoped3A_37 = tpu.sem_alloc : memref<!tpu.dma_semaphore, #tpu.memory_space<semaphore_mem>>
        %dma_start3A = arith.constant 0 : i32
        %dma_start3A_38 = tpu.memref_slice %arg8[%dma_start3A] : memref<1008xi32, #tpu.memory_space<vmem>> -> memref<1000xi32, #tpu.memory_space<vmem>>
        %dma_start3A_39 = tpu.memref_slice %arg3[%add3A_28] : memref<160000xi32, #tpu.memory_space<hbm>> -> memref<1000xi32, #tpu.memory_space<hbm>>
        %dma_start3A_40 = arith.constant 0 : i32
        %dma_start3A_41 = tpu.memref_slice %arg8[%dma_start3A_40] : memref<1008xi32, #tpu.memory_space<vmem>> -> memref<1000xi32, #tpu.memory_space<vmem>>
        %dma_start3A_42 = tpu.memref_slice %arg3[%add3A_28] : memref<160000xi32, #tpu.memory_space<hbm>> -> memref<1000xi32, #tpu.memory_space<hbm>>
        tpu.enqueue_dma source(%dma_start3A_42 : memref<1000xi32, #tpu.memory_space<hbm>>) target(%dma_start3A_41 : memref<1000xi32, #tpu.memory_space<vmem>>) target_semaphore(%run_scoped3A_37 : memref<!tpu.dma_semaphore, #tpu.memory_space<semaphore_mem>>)
        %dma_wait3A = arith.constant 0 : i32
        %dma_wait3A_43 = tpu.memref_slice %arg8[%dma_wait3A] : memref<1008xi32, #tpu.memory_space<vmem>> -> memref<1000xi32, #tpu.memory_space<vmem>>
        %dma_wait3A_44 = tpu.memref_slice %arg3[%add3A_28] : memref<160000xi32, #tpu.memory_space<hbm>> -> memref<1000xi32, #tpu.memory_space<hbm>>
        %dma_wait3A_45 = arith.constant 0 : i32
        %dma_wait3A_46 = tpu.memref_slice %arg8[%dma_wait3A_45] : memref<1008xi32, #tpu.memory_space<vmem>> -> memref<1000xi32, #tpu.memory_space<vmem>>
        %dma_wait3A_47 = tpu.memref_slice %arg3[%add3A_28] : memref<160000xi32, #tpu.memory_space<hbm>> -> memref<1000xi32, #tpu.memory_space<hbm>>
        tpu.wait_dma2 semaphore(%run_scoped3A_37 : memref<!tpu.dma_semaphore, #tpu.memory_space<semaphore_mem>>) src(%dma_wait3A_47 : memref<1000xi32, #tpu.memory_space<hbm>>) dst(%dma_wait3A_46 : memref<1000xi32, #tpu.memory_space<vmem>>)
        tpu.yield
      }) : () -> ()
      %scan3A_29 = arith.constant 0 : i32
      %scan3A_30 = arith.constant 62 : i32
      %scan3A_31 = arith.addi %scan3A_29, %scan3A_30 : i32
      %scan3A_32 = arith.constant 1 : i32
      scf.for %scan3A_37 = %scan3A_29 to %scan3A_31 step %scan3A_32  : i32 {
        %mul3A_38 = arith.constant 1 : i32
        %mul3A_39 = arith.muli %scan3A_37, %mul3A_38 : i32
        %add3A_40 = arith.constant 0 : i32
        %add3A_41 = arith.addi %add3A_40, %mul3A_39 : i32
        %mul3A_42 = arith.constant 16 : i32
        %mul3A_43 = arith.muli %add3A_41, %mul3A_42 : i32
        %get3A_44 = arith.index_cast %mul3A_43 : i32 to index
        %get3A_45 = tpu.vector_load %arg7[%get3A_44] {strides = array<i32>} : memref<1008xi32, #tpu.memory_space<vmem>>, vector<16xi32>,
        tpu.vector_store_idx %arg5[%get3A_45], %broadcast_in_dim3A_10 {add = true} : memref<10000xi32, #tpu.memory_space<vmem>>[vector<16xi32>], vector<16xi32>,
        %mul3A_46 = arith.constant 16 : i32
        %mul3A_47 = arith.muli %add3A_41, %mul3A_46 : i32
        %get3A_48 = arith.index_cast %mul3A_47 : i32 to index
        %get3A_49 = tpu.vector_load %arg8[%get3A_48] {strides = array<i32>} : memref<1008xi32, #tpu.memory_space<vmem>>, vector<16xi32>,
        tpu.vector_store_idx %arg6[%get3A_49], %broadcast_in_dim3A_10 {add = true} : memref<10000xi32, #tpu.memory_space<vmem>>[vector<16xi32>], vector<16xi32>,
      }
      %scan3A_33 = arith.constant 62 : i32
      %get3A = arith.constant 992 : index
      %get3A_34 = tpu.vector_load %arg7[%get3A] {strides = array<i32>} : memref<1008xi32, #tpu.memory_space<vmem>>, vector<16xi32>,
      tpu.vector_store_idx %arg5[%get3A_34], %broadcast_in_dim3A_10 masked %lt3A_12 {add = true} : memref<10000xi32, #tpu.memory_space<vmem>>[vector<16xi32>], vector<16xi32>, vector<16xi1>
      %get3A_35 = arith.constant 992 : index
      %get3A_36 = tpu.vector_load %arg8[%get3A_35] {strides = array<i32>} : memref<1008xi32, #tpu.memory_space<vmem>>, vector<16xi32>,
      tpu.vector_store_idx %arg6[%get3A_36], %broadcast_in_dim3A_10 masked %lt3A_12 {add = true} : memref<10000xi32, #tpu.memory_space<vmem>>[vector<16xi32>], vector<16xi32>, vector<16xi1>
    }
    %scan3A_19 = arith.constant 5 : i32
    %run_scoped3A = arith.constant 0 : i32
    "tpu.region"() ({
      %run_scoped3A_21 = tpu.sem_alloc : memref<!tpu.dma_semaphore, #tpu.memory_space<semaphore_mem>>
      %dma_start3A = arith.constant 0 : i32
      %dma_start3A_22 = tpu.memref_slice %arg4[%run_scoped3A, %add3A, %dma_start3A] : memref<2x32x10000xi32, #tpu.memory_space<hbm>> -> memref<1x1x10000xi32, #tpu.memory_space<hbm>>
      %dma_start3A_23 = tpu.memref_squeeze %dma_start3A_22 : memref<1x1x10000xi32, #tpu.memory_space<hbm>> -> memref<10000xi32, #tpu.memory_space<hbm>>
      %dma_start3A_24 = arith.constant 0 : i32
      %dma_start3A_25 = tpu.memref_slice %arg4[%run_scoped3A, %add3A, %dma_start3A_24] : memref<2x32x10000xi32, #tpu.memory_space<hbm>> -> memref<1x1x10000xi32, #tpu.memory_space<hbm>>
      %dma_start3A_26 = tpu.memref_squeeze %dma_start3A_25 : memref<1x1x10000xi32, #tpu.memory_space<hbm>> -> memref<10000xi32, #tpu.memory_space<hbm>>
      tpu.enqueue_dma source(%arg5 : memref<10000xi32, #tpu.memory_space<vmem>>) target(%dma_start3A_26 : memref<10000xi32, #tpu.memory_space<hbm>>) target_semaphore(%run_scoped3A_21 : memref<!tpu.dma_semaphore, #tpu.memory_space<semaphore_mem>>)
      %dma_wait3A = arith.constant 0 : i32
      %dma_wait3A_27 = tpu.memref_slice %arg4[%run_scoped3A, %add3A, %dma_wait3A] : memref<2x32x10000xi32, #tpu.memory_space<hbm>> -> memref<1x1x10000xi32, #tpu.memory_space<hbm>>
      %dma_wait3A_28 = tpu.memref_squeeze %dma_wait3A_27 : memref<1x1x10000xi32, #tpu.memory_space<hbm>> -> memref<10000xi32, #tpu.memory_space<hbm>>
      %dma_wait3A_29 = arith.constant 0 : i32
      %dma_wait3A_30 = tpu.memref_slice %arg4[%run_scoped3A, %add3A, %dma_wait3A_29] : memref<2x32x10000xi32, #tpu.memory_space<hbm>> -> memref<1x1x10000xi32, #tpu.memory_space<hbm>>
      %dma_wait3A_31 = tpu.memref_squeeze %dma_wait3A_30 : memref<1x1x10000xi32, #tpu.memory_space<hbm>> -> memref<10000xi32, #tpu.memory_space<hbm>>
      tpu.wait_dma2 semaphore(%run_scoped3A_21 : memref<!tpu.dma_semaphore, #tpu.memory_space<semaphore_mem>>) src(%arg5 : memref<10000xi32, #tpu.memory_space<vmem>>) dst(%dma_wait3A_31 : memref<10000xi32, #tpu.memory_space<hbm>>)
      tpu.yield
    }) : () -> ()
    %run_scoped3A_20 = arith.constant 1 : i32
    "tpu.region"() ({
      %run_scoped3A_21 = tpu.sem_alloc : memref<!tpu.dma_semaphore, #tpu.memory_space<semaphore_mem>>
      %dma_start3A = arith.constant 0 : i32
      %dma_start3A_22 = tpu.memref_slice %arg4[%run_scoped3A_20, %add3A, %dma_start3A] : memref<2x32x10000xi32, #tpu.memory_space<hbm>> -> memref<1x1x10000xi32, #tpu.memory_space<hbm>>
      %dma_start3A_23 = tpu.memref_squeeze %dma_start3A_22 : memref<1x1x10000xi32, #tpu.memory_space<hbm>> -> memref<10000xi32, #tpu.memory_space<hbm>>
      %dma_start3A_24 = arith.constant 0 : i32
      %dma_start3A_25 = tpu.memref_slice %arg4[%run_scoped3A_20, %add3A, %dma_start3A_24] : memref<2x32x10000xi32, #tpu.memory_space<hbm>> -> memref<1x1x10000xi32, #tpu.memory_space<hbm>>
      %dma_start3A_26 = tpu.memref_squeeze %dma_start3A_25 : memref<1x1x10000xi32, #tpu.memory_space<hbm>> -> memref<10000xi32, #tpu.memory_space<hbm>>
      tpu.enqueue_dma source(%arg6 : memref<10000xi32, #tpu.memory_space<vmem>>) target(%dma_start3A_26 : memref<10000xi32, #tpu.memory_space<hbm>>) target_semaphore(%run_scoped3A_21 : memref<!tpu.dma_semaphore, #tpu.memory_space<semaphore_mem>>)
      %dma_wait3A = arith.constant 0 : i32
      %dma_wait3A_27 = tpu.memref_slice %arg4[%run_scoped3A_20, %add3A, %dma_wait3A] : memref<2x32x10000xi32, #tpu.memory_space<hbm>> -> memref<1x1x10000xi32, #tpu.memory_space<hbm>>
      %dma_wait3A_28 = tpu.memref_squeeze %dma_wait3A_27 : memref<1x1x10000xi32, #tpu.memory_space<hbm>> -> memref<10000xi32, #tpu.memory_space<hbm>>
      %dma_wait3A_29 = arith.constant 0 : i32
      %dma_wait3A_30 = tpu.memref_slice %arg4[%run_scoped3A_20, %add3A, %dma_wait3A_29] : memref<2x32x10000xi32, #tpu.memory_space<hbm>> -> memref<1x1x10000xi32, #tpu.memory_space<hbm>>
      %dma_wait3A_31 = tpu.memref_squeeze %dma_wait3A_30 : memref<1x1x10000xi32, #tpu.memory_space<hbm>> -> memref<10000xi32, #tpu.memory_space<hbm>>
      tpu.wait_dma2 semaphore(%run_scoped3A_21 : memref<!tpu.dma_semaphore, #tpu.memory_space<semaphore_mem>>) src(%arg6 : memref<10000xi32, #tpu.memory_space<vmem>>) dst(%dma_wait3A_31 : memref<10000xi32, #tpu.memory_space<hbm>>)
      tpu.yield
    }) : () -> ()
    return
  }
}

#map = affine_map<(d0, d1) -> (0, 0, 0)>
module attributes {stable_mosaic.version = 14 : i64} {
  func.func @_agg_body(%arg0: i32, %arg1: i32, %arg2: memref<2x10240x128xf32, #tpu.memory_space<hbm>>, %arg3: memref<16x80x128xi32, #tpu.memory_space<hbm>>, %arg4: memref<16x80x128xi32, #tpu.memory_space<hbm>>, %arg5: memref<2x10240x128xf32, #tpu.memory_space<hbm>>, %arg6: memref<10240x128xf32, #tpu.memory_space<vmem_shared>>, %arg7: memref<80x128xi32, #tpu.memory_space<vmem>>, %arg8: memref<128xi32, #tpu.memory_space<vmem>>, %arg9: memref<128xi32, #tpu.memory_space<vmem>>, %arg10: memref<128x128xf32, #tpu.memory_space<vmem>>, %arg11: memref<128x128xf32, #tpu.memory_space<vmem>>, %arg12: memref<!tpu.dma_semaphore, #tpu.memory_space<semaphore_mem>>, %arg13: memref<!tpu.dma_semaphore, #tpu.memory_space<semaphore_mem>>, %arg14: memref<!tpu.dma_semaphore, #tpu.memory_space<semaphore_mem>>, %arg15: memref<!tpu.dma_semaphore, #tpu.memory_space<semaphore_mem>>, %arg16: memref<!tpu.dma_semaphore, #tpu.memory_space<semaphore_mem>>) attributes {dimension_semantics = [#tpu.dimension_semantics<core_parallel>, #tpu.dimension_semantics<subcore_parallel>], iteration_bounds = array<i64: 2, 16>, scalar_prefetch = 0 : i64, scratch_operands = 11 : i64, tpu.core_type = #tpu.core_type<sc_vector_subcore>, window_params = [{transform_indices = #map}, {transform_indices = #map}, {transform_indices = #map}, {transform_indices = #map}]} {
    %broadcast_in_dim3A = arith.constant 0.000000e+00 : f32
    %broadcast_in_dim3A_0 = vector.broadcast %broadcast_in_dim3A : f32 to vector<16xf32>
    %dma_start3A = arith.constant 0 : i32
    %dma_start3A_1 = arith.constant 0 : i32
    %dma_start3A_2 = tpu.memref_slice %arg3[%arg1, %dma_start3A, %dma_start3A_1] : memref<16x80x128xi32, #tpu.memory_space<hbm>> -> memref<1x80x128xi32, #tpu.memory_space<hbm>>
    %dma_start3A_3 = tpu.memref_squeeze %dma_start3A_2 : memref<1x80x128xi32, #tpu.memory_space<hbm>> -> memref<80x128xi32, #tpu.memory_space<hbm>>
    %dma_start3A_4 = arith.constant 0 : i32
    %dma_start3A_5 = arith.constant 0 : i32
    %dma_start3A_6 = tpu.memref_slice %arg3[%arg1, %dma_start3A_4, %dma_start3A_5] : memref<16x80x128xi32, #tpu.memory_space<hbm>> -> memref<1x80x128xi32, #tpu.memory_space<hbm>>
    %dma_start3A_7 = tpu.memref_squeeze %dma_start3A_6 : memref<1x80x128xi32, #tpu.memory_space<hbm>> -> memref<80x128xi32, #tpu.memory_space<hbm>>
    tpu.enqueue_dma source(%dma_start3A_7 : memref<80x128xi32, #tpu.memory_space<hbm>>) target(%arg7 : memref<80x128xi32, #tpu.memory_space<vmem>>) target_semaphore(%arg16 : memref<!tpu.dma_semaphore, #tpu.memory_space<semaphore_mem>>)
    %scan3A = arith.constant 0 : i32
    %scan3A_8 = arith.constant 128 : i32
    %scan3A_9 = arith.addi %scan3A, %scan3A_8 : i32
    %scan3A_10 = arith.constant 1 : i32
    scf.for %scan3A_69 = %scan3A to %scan3A_9 step %scan3A_10  : i32 {
      %mul3A_70 = arith.constant 1 : i32
      %mul3A_71 = arith.muli %scan3A_69, %mul3A_70 : i32
      %add3A = arith.constant 0 : i32
      %add3A_72 = arith.addi %add3A, %mul3A_71 : i32
      %scan3A_73 = arith.constant 0 : i32
      %scan3A_74 = arith.constant 8 : i32
      %scan3A_75 = arith.addi %scan3A_73, %scan3A_74 : i32
      %scan3A_76 = arith.constant 1 : i32
      scf.for %scan3A_78 = %scan3A_73 to %scan3A_75 step %scan3A_76  : i32 {
        %mul3A_79 = arith.constant 1 : i32
        %mul3A_80 = arith.muli %scan3A_78, %mul3A_79 : i32
        %add3A_81 = arith.constant 0 : i32
        %add3A_82 = arith.addi %add3A_81, %mul3A_80 : i32
        %mul3A_83 = arith.constant 16 : i32
        %mul3A_84 = arith.muli %add3A_82, %mul3A_83 : i32
        %swap3A = arith.index_cast %add3A_72 : i32 to index
        %swap3A_85 = arith.index_cast %mul3A_84 : i32 to index
        %swap3A_86 = tpu.vector_load %arg10[%swap3A, %swap3A_85] {strides = array<i32>} : memref<128x128xf32, #tpu.memory_space<vmem>>, vector<16xf32>,
        tpu.vector_store %arg10[%swap3A, %swap3A_85], %broadcast_in_dim3A_0 {strides = array<i32>} : memref<128x128xf32, #tpu.memory_space<vmem>>, vector<16xf32>,
      }
      %scan3A_77 = arith.constant 8 : i32
    }
    %scan3A_11 = arith.constant 128 : i32
    %scan3A_12 = arith.constant 0 : i32
    %scan3A_13 = arith.constant 5 : i32
    %scan3A_14 = arith.addi %scan3A_12, %scan3A_13 : i32
    %scan3A_15 = arith.constant 1 : i32
    scf.for %scan3A_69 = %scan3A_12 to %scan3A_14 step %scan3A_15  : i32 {
      %mul3A_70 = arith.constant 1 : i32
      %mul3A_71 = arith.muli %scan3A_69, %mul3A_70 : i32
      %add3A = arith.constant 0 : i32
      %add3A_72 = arith.addi %add3A, %mul3A_71 : i32
      %mul3A_73 = arith.constant 640 : i32
      %mul3A_74 = arith.muli %arg1, %mul3A_73 : i32
      %mul3A_75 = arith.constant 128 : i32
      %mul3A_76 = arith.muli %add3A_72, %mul3A_75 : i32
      %add3A_77 = arith.addi %mul3A_74, %mul3A_76 : i32
      "tpu.region"() ({
        %run_scoped3A = tpu.sem_alloc : memref<!tpu.dma_semaphore, #tpu.memory_space<semaphore_mem>>
        %dma_start3A_78 = arith.constant 0 : i32
        %dma_start3A_79 = tpu.memref_slice %arg6[%add3A_77, %dma_start3A_78] : memref<10240x128xf32, #tpu.memory_space<vmem_shared>> -> memref<128x128xf32, #tpu.memory_space<vmem_shared>>
        %dma_start3A_80 = arith.constant 0 : i32
        %dma_start3A_81 = tpu.memref_slice %arg6[%add3A_77, %dma_start3A_80] : memref<10240x128xf32, #tpu.memory_space<vmem_shared>> -> memref<128x128xf32, #tpu.memory_space<vmem_shared>>
        tpu.enqueue_dma source(%arg10 : memref<128x128xf32, #tpu.memory_space<vmem>>) target(%dma_start3A_81 : memref<128x128xf32, #tpu.memory_space<vmem_shared>>) target_semaphore(%run_scoped3A : memref<!tpu.dma_semaphore, #tpu.memory_space<semaphore_mem>>)
        %dma_wait3A_82 = arith.constant 0 : i32
        %dma_wait3A_83 = tpu.memref_slice %arg6[%add3A_77, %dma_wait3A_82] : memref<10240x128xf32, #tpu.memory_space<vmem_shared>> -> memref<128x128xf32, #tpu.memory_space<vmem_shared>>
        %dma_wait3A_84 = arith.constant 0 : i32
        %dma_wait3A_85 = tpu.memref_slice %arg6[%add3A_77, %dma_wait3A_84] : memref<10240x128xf32, #tpu.memory_space<vmem_shared>> -> memref<128x128xf32, #tpu.memory_space<vmem_shared>>
        tpu.wait_dma2 semaphore(%run_scoped3A : memref<!tpu.dma_semaphore, #tpu.memory_space<semaphore_mem>>) src(%arg10 : memref<128x128xf32, #tpu.memory_space<vmem>>) dst(%dma_wait3A_85 : memref<128x128xf32, #tpu.memory_space<vmem_shared>>)
        tpu.yield
      }) : () -> ()
    }
    %scan3A_16 = arith.constant 5 : i32
    %dma_wait3A = arith.constant 0 : i32
    %dma_wait3A_17 = arith.constant 0 : i32
    %dma_wait3A_18 = tpu.memref_slice %arg3[%arg1, %dma_wait3A, %dma_wait3A_17] : memref<16x80x128xi32, #tpu.memory_space<hbm>> -> memref<1x80x128xi32, #tpu.memory_space<hbm>>
    %dma_wait3A_19 = tpu.memref_squeeze %dma_wait3A_18 : memref<1x80x128xi32, #tpu.memory_space<hbm>> -> memref<80x128xi32, #tpu.memory_space<hbm>>
    %dma_wait3A_20 = arith.constant 0 : i32
    %dma_wait3A_21 = arith.constant 0 : i32
    %dma_wait3A_22 = tpu.memref_slice %arg3[%arg1, %dma_wait3A_20, %dma_wait3A_21] : memref<16x80x128xi32, #tpu.memory_space<hbm>> -> memref<1x80x128xi32, #tpu.memory_space<hbm>>
    %dma_wait3A_23 = tpu.memref_squeeze %dma_wait3A_22 : memref<1x80x128xi32, #tpu.memory_space<hbm>> -> memref<80x128xi32, #tpu.memory_space<hbm>>
    tpu.wait_dma2 semaphore(%arg16 : memref<!tpu.dma_semaphore, #tpu.memory_space<semaphore_mem>>) src(%dma_wait3A_23 : memref<80x128xi32, #tpu.memory_space<hbm>>) dst(%arg7 : memref<80x128xi32, #tpu.memory_space<vmem>>)
    %barrier3A = arith.constant 0 : index
    tpu.barrier barrier_id(%barrier3A)
    %dma_start3A_24 = arith.constant 0 : i32
    %dma_start3A_25 = arith.constant 0 : i32
    %dma_start3A_26 = tpu.memref_slice %arg4[%arg1, %dma_start3A_24, %dma_start3A_25] : memref<16x80x128xi32, #tpu.memory_space<hbm>> -> memref<1x1x128xi32, #tpu.memory_space<hbm>>
    %dma_start3A_27 = tpu.memref_squeeze %dma_start3A_26 : memref<1x1x128xi32, #tpu.memory_space<hbm>> -> memref<128xi32, #tpu.memory_space<hbm>>
    %dma_start3A_28 = arith.constant 0 : i32
    %dma_start3A_29 = tpu.memref_slice %arg4[%arg1, %dma_start3A_24, %dma_start3A_28] : memref<16x80x128xi32, #tpu.memory_space<hbm>> -> memref<1x1x128xi32, #tpu.memory_space<hbm>>
    %dma_start3A_30 = tpu.memref_squeeze %dma_start3A_29 : memref<1x1x128xi32, #tpu.memory_space<hbm>> -> memref<128xi32, #tpu.memory_space<hbm>>
    tpu.enqueue_dma source(%dma_start3A_30 : memref<128xi32, #tpu.memory_space<hbm>>) target(%arg8 : memref<128xi32, #tpu.memory_space<vmem>>) target_semaphore(%arg14 : memref<!tpu.dma_semaphore, #tpu.memory_space<semaphore_mem>>)
    %dma_start3A_31 = arith.constant 1 : i32
    %dma_start3A_32 = arith.constant 0 : i32
    %dma_start3A_33 = tpu.memref_slice %arg4[%arg1, %dma_start3A_31, %dma_start3A_32] : memref<16x80x128xi32, #tpu.memory_space<hbm>> -> memref<1x1x128xi32, #tpu.memory_space<hbm>>
    %dma_start3A_34 = tpu.memref_squeeze %dma_start3A_33 : memref<1x1x128xi32, #tpu.memory_space<hbm>> -> memref<128xi32, #tpu.memory_space<hbm>>
    %dma_start3A_35 = arith.constant 0 : i32
    %dma_start3A_36 = tpu.memref_slice %arg4[%arg1, %dma_start3A_31, %dma_start3A_35] : memref<16x80x128xi32, #tpu.memory_space<hbm>> -> memref<1x1x128xi32, #tpu.memory_space<hbm>>
    %dma_start3A_37 = tpu.memref_squeeze %dma_start3A_36 : memref<1x1x128xi32, #tpu.memory_space<hbm>> -> memref<128xi32, #tpu.memory_space<hbm>>
    tpu.enqueue_dma source(%dma_start3A_37 : memref<128xi32, #tpu.memory_space<hbm>>) target(%arg9 : memref<128xi32, #tpu.memory_space<vmem>>) target_semaphore(%arg15 : memref<!tpu.dma_semaphore, #tpu.memory_space<semaphore_mem>>)
    %dma_start3A_38 = arith.constant 0 : i32
    %dma_start3A_39 = arith.constant 0 : i32
    %dma_start3A_40 = tpu.memref_slice %arg7[%dma_start3A_38, %dma_start3A_39] : memref<80x128xi32, #tpu.memory_space<vmem>> -> memref<1x128xi32, #tpu.memory_space<vmem>>
    %dma_start3A_41 = tpu.memref_squeeze %dma_start3A_40 : memref<1x128xi32, #tpu.memory_space<vmem>> -> memref<128xi32, #tpu.memory_space<vmem>>
    %dma_start3A_42 = arith.constant 0 : i32
    %dma_start3A_43 = arith.constant 0 : i32
    %dma_start3A_44 = tpu.memref_slice %arg2[%arg0, %dma_start3A_42, %dma_start3A_43] : memref<2x10240x128xf32, #tpu.memory_space<hbm>> -> memref<1x10240x128xf32, #tpu.memory_space<hbm>>
    %dma_start3A_45 = tpu.memref_squeeze %dma_start3A_44 : memref<1x10240x128xf32, #tpu.memory_space<hbm>> -> memref<10240x128xf32, #tpu.memory_space<hbm>>
    %dma_start3A_46 = arith.constant 0 : i32
    %dma_start3A_47 = arith.constant 0 : i32
    %dma_start3A_48 = tpu.memref_slice %dma_start3A_45[%dma_start3A_46, %dma_start3A_47] : memref<10240x128xf32, #tpu.memory_space<hbm>> -> memref<10240x128xf32, #tpu.memory_space<hbm>>
    tpu.enqueue_indirect_dma source(%dma_start3A_48 : memref<10240x128xf32, #tpu.memory_space<hbm>>) target(%arg10 : memref<128x128xf32, #tpu.memory_space<vmem>>) offsets(%dma_start3A_41 : memref<128xi32, #tpu.memory_space<vmem>>) semaphore(%arg12 : memref<!tpu.dma_semaphore, #tpu.memory_space<semaphore_mem>>)
    %dma_start3A_49 = arith.constant 1 : i32
    %dma_start3A_50 = arith.constant 0 : i32
    %dma_start3A_51 = tpu.memref_slice %arg7[%dma_start3A_49, %dma_start3A_50] : memref<80x128xi32, #tpu.memory_space<vmem>> -> memref<1x128xi32, #tpu.memory_space<vmem>>
    %dma_start3A_52 = tpu.memref_squeeze %dma_start3A_51 : memref<1x128xi32, #tpu.memory_space<vmem>> -> memref<128xi32, #tpu.memory_space<vmem>>
    %dma_start3A_53 = arith.constant 0 : i32
    %dma_start3A_54 = arith.constant 0 : i32
    %dma_start3A_55 = tpu.memref_slice %arg2[%arg0, %dma_start3A_53, %dma_start3A_54] : memref<2x10240x128xf32, #tpu.memory_space<hbm>> -> memref<1x10240x128xf32, #tpu.memory_space<hbm>>
    %dma_start3A_56 = tpu.memref_squeeze %dma_start3A_55 : memref<1x10240x128xf32, #tpu.memory_space<hbm>> -> memref<10240x128xf32, #tpu.memory_space<hbm>>
    %dma_start3A_57 = arith.constant 0 : i32
    %dma_start3A_58 = arith.constant 0 : i32
    %dma_start3A_59 = tpu.memref_slice %dma_start3A_56[%dma_start3A_57, %dma_start3A_58] : memref<10240x128xf32, #tpu.memory_space<hbm>> -> memref<10240x128xf32, #tpu.memory_space<hbm>>
    tpu.enqueue_indirect_dma source(%dma_start3A_59 : memref<10240x128xf32, #tpu.memory_space<hbm>>) target(%arg11 : memref<128x128xf32, #tpu.memory_space<vmem>>) offsets(%dma_start3A_52 : memref<128xi32, #tpu.memory_space<vmem>>) semaphore(%arg13 : memref<!tpu.dma_semaphore, #tpu.memory_space<semaphore_mem>>)
    %scan3A_60 = arith.constant 0 : i32
    %scan3A_61 = arith.constant 40 : i32
    %scan3A_62 = arith.addi %scan3A_60, %scan3A_61 : i32
    %scan3A_63 = arith.constant 1 : i32
    scf.for %scan3A_69 = %scan3A_60 to %scan3A_62 step %scan3A_63  : i32 {
      %mul3A_70 = arith.constant 1 : i32
      %mul3A_71 = arith.muli %scan3A_69, %mul3A_70 : i32
      %add3A = arith.constant 0 : i32
      %add3A_72 = arith.addi %add3A, %mul3A_71 : i32
      %mul3A_73 = arith.constant 2 : i32
      %mul3A_74 = arith.muli %add3A_72, %mul3A_73 : i32
      %add3A_75 = arith.constant 0 : i32
      %add3A_76 = arith.addi %mul3A_74, %add3A_75 : i32
      %dma_wait3A_77 = arith.constant 0 : i32
      %dma_wait3A_78 = tpu.memref_slice %arg7[%add3A_76, %dma_wait3A_77] : memref<80x128xi32, #tpu.memory_space<vmem>> -> memref<1x128xi32, #tpu.memory_space<vmem>>
      %dma_wait3A_79 = tpu.memref_squeeze %dma_wait3A_78 : memref<1x128xi32, #tpu.memory_space<vmem>> -> memref<128xi32, #tpu.memory_space<vmem>>
      %dma_wait3A_80 = arith.constant 0 : i32
      %dma_wait3A_81 = arith.constant 0 : i32
      %dma_wait3A_82 = tpu.memref_slice %arg2[%arg0, %dma_wait3A_80, %dma_wait3A_81] : memref<2x10240x128xf32, #tpu.memory_space<hbm>> -> memref<1x10240x128xf32, #tpu.memory_space<hbm>>
      %dma_wait3A_83 = tpu.memref_squeeze %dma_wait3A_82 : memref<1x10240x128xf32, #tpu.memory_space<hbm>> -> memref<10240x128xf32, #tpu.memory_space<hbm>>
      %dma_wait3A_84 = arith.constant 0 : i32
      %dma_wait3A_85 = arith.constant 0 : i32
      %dma_wait3A_86 = tpu.memref_slice %dma_wait3A_83[%dma_wait3A_84, %dma_wait3A_85] : memref<10240x128xf32, #tpu.memory_space<hbm>> -> memref<10240x128xf32, #tpu.memory_space<hbm>>
      tpu.wait_indirect_dma semaphore(%arg12 : memref<!tpu.dma_semaphore, #tpu.memory_space<semaphore_mem>>) src(%dma_wait3A_86 : memref<10240x128xf32, #tpu.memory_space<hbm>>) dst(%arg10 : memref<128x128xf32, #tpu.memory_space<vmem>>)
      %add3A_87 = arith.constant 0 : i32
      %add3A_88 = arith.addi %mul3A_74, %add3A_87 : i32
      %dma_wait3A_89 = arith.constant 0 : i32
      %dma_wait3A_90 = tpu.memref_slice %arg4[%arg1, %add3A_88, %dma_wait3A_89] : memref<16x80x128xi32, #tpu.memory_space<hbm>> -> memref<1x1x128xi32, #tpu.memory_space<hbm>>
      %dma_wait3A_91 = tpu.memref_squeeze %dma_wait3A_90 : memref<1x1x128xi32, #tpu.memory_space<hbm>> -> memref<128xi32, #tpu.memory_space<hbm>>
      %dma_wait3A_92 = arith.constant 0 : i32
      %dma_wait3A_93 = tpu.memref_slice %arg4[%arg1, %add3A_88, %dma_wait3A_92] : memref<16x80x128xi32, #tpu.memory_space<hbm>> -> memref<1x1x128xi32, #tpu.memory_space<hbm>>
      %dma_wait3A_94 = tpu.memref_squeeze %dma_wait3A_93 : memref<1x1x128xi32, #tpu.memory_space<hbm>> -> memref<128xi32, #tpu.memory_space<hbm>>
      tpu.wait_dma2 semaphore(%arg14 : memref<!tpu.dma_semaphore, #tpu.memory_space<semaphore_mem>>) src(%dma_wait3A_94 : memref<128xi32, #tpu.memory_space<hbm>>) dst(%arg8 : memref<128xi32, #tpu.memory_space<vmem>>)
      "tpu.region"() ({
        %run_scoped3A = tpu.sem_alloc : memref<!tpu.dma_semaphore, #tpu.memory_space<semaphore_mem>>
        %dma_start3A_130 = arith.constant 0 : i32
        %dma_start3A_131 = arith.constant 0 : i32
        %dma_start3A_132 = tpu.memref_slice %arg6[%dma_start3A_130, %dma_start3A_131] : memref<10240x128xf32, #tpu.memory_space<vmem_shared>> -> memref<10240x128xf32, #tpu.memory_space<vmem_shared>>
        tpu.enqueue_indirect_dma source(%arg10 : memref<128x128xf32, #tpu.memory_space<vmem>>) target(%dma_start3A_132 : memref<10240x128xf32, #tpu.memory_space<vmem_shared>>) offsets(%arg8 : memref<128xi32, #tpu.memory_space<vmem>>) semaphore(%run_scoped3A : memref<!tpu.dma_semaphore, #tpu.memory_space<semaphore_mem>>) {add = true}
        %dma_wait3A_133 = arith.constant 0 : i32
        %dma_wait3A_134 = arith.constant 0 : i32
        %dma_wait3A_135 = tpu.memref_slice %arg6[%dma_wait3A_133, %dma_wait3A_134] : memref<10240x128xf32, #tpu.memory_space<vmem_shared>> -> memref<10240x128xf32, #tpu.memory_space<vmem_shared>>
        tpu.wait_indirect_dma semaphore(%run_scoped3A : memref<!tpu.dma_semaphore, #tpu.memory_space<semaphore_mem>>) src(%arg10 : memref<128x128xf32, #tpu.memory_space<vmem>>) dst(%dma_wait3A_135 : memref<10240x128xf32, #tpu.memory_space<vmem_shared>>)
        tpu.yield
      }) : () -> ()
      %add3A_95 = arith.constant 0 : i32
      %add3A_96 = arith.addi %mul3A_74, %add3A_95 : i32
      %add3A_97 = arith.constant 2 : i32
      %add3A_98 = arith.addi %add3A_96, %add3A_97 : i32
      %lt3A = arith.constant 80 : i32
      %lt3A_99 = arith.cmpi slt, %add3A_98, %lt3A : i32
      %convert_element_type3A = arith.extui %lt3A_99 : i1 to i32
      %cond3A = arith.constant 0 : i32
      %cond3A_100 = arith.cmpi ne, %convert_element_type3A, %cond3A : i32
      scf.if %cond3A_100 {
        %add3A_130 = arith.constant 0 : i32
        %add3A_131 = arith.addi %mul3A_74, %add3A_130 : i32
        %add3A_132 = arith.constant 2 : i32
        %add3A_133 = arith.addi %add3A_131, %add3A_132 : i32
        %dma_start3A_134 = arith.constant 0 : i32
        %dma_start3A_135 = tpu.memref_slice %arg4[%arg1, %add3A_133, %dma_start3A_134] : memref<16x80x128xi32, #tpu.memory_space<hbm>> -> memref<1x1x128xi32, #tpu.memory_space<hbm>>
        %dma_start3A_136 = tpu.memref_squeeze %dma_start3A_135 : memref<1x1x128xi32, #tpu.memory_space<hbm>> -> memref<128xi32, #tpu.memory_space<hbm>>
        %dma_start3A_137 = arith.constant 0 : i32
        %dma_start3A_138 = tpu.memref_slice %arg4[%arg1, %add3A_133, %dma_start3A_137] : memref<16x80x128xi32, #tpu.memory_space<hbm>> -> memref<1x1x128xi32, #tpu.memory_space<hbm>>
        %dma_start3A_139 = tpu.memref_squeeze %dma_start3A_138 : memref<1x1x128xi32, #tpu.memory_space<hbm>> -> memref<128xi32, #tpu.memory_space<hbm>>
        tpu.enqueue_dma source(%dma_start3A_139 : memref<128xi32, #tpu.memory_space<hbm>>) target(%arg8 : memref<128xi32, #tpu.memory_space<vmem>>) target_semaphore(%arg14 : memref<!tpu.dma_semaphore, #tpu.memory_space<semaphore_mem>>)
        %add3A_140 = arith.constant 0 : i32
        %add3A_141 = arith.addi %mul3A_74, %add3A_140 : i32
        %add3A_142 = arith.constant 2 : i32
        %add3A_143 = arith.addi %add3A_141, %add3A_142 : i32
        %dma_start3A_144 = arith.constant 0 : i32
        %dma_start3A_145 = tpu.memref_slice %arg7[%add3A_143, %dma_start3A_144] : memref<80x128xi32, #tpu.memory_space<vmem>> -> memref<1x128xi32, #tpu.memory_space<vmem>>
        %dma_start3A_146 = tpu.memref_squeeze %dma_start3A_145 : memref<1x128xi32, #tpu.memory_space<vmem>> -> memref<128xi32, #tpu.memory_space<vmem>>
        %dma_start3A_147 = arith.constant 0 : i32
        %dma_start3A_148 = arith.constant 0 : i32
        %dma_start3A_149 = tpu.memref_slice %arg2[%arg0, %dma_start3A_147, %dma_start3A_148] : memref<2x10240x128xf32, #tpu.memory_space<hbm>> -> memref<1x10240x128xf32, #tpu.memory_space<hbm>>
        %dma_start3A_150 = tpu.memref_squeeze %dma_start3A_149 : memref<1x10240x128xf32, #tpu.memory_space<hbm>> -> memref<10240x128xf32, #tpu.memory_space<hbm>>
        %dma_start3A_151 = arith.constant 0 : i32
        %dma_start3A_152 = arith.constant 0 : i32
        %dma_start3A_153 = tpu.memref_slice %dma_start3A_150[%dma_start3A_151, %dma_start3A_152] : memref<10240x128xf32, #tpu.memory_space<hbm>> -> memref<10240x128xf32, #tpu.memory_space<hbm>>
        tpu.enqueue_indirect_dma source(%dma_start3A_153 : memref<10240x128xf32, #tpu.memory_space<hbm>>) target(%arg10 : memref<128x128xf32, #tpu.memory_space<vmem>>) offsets(%dma_start3A_146 : memref<128xi32, #tpu.memory_space<vmem>>) semaphore(%arg12 : memref<!tpu.dma_semaphore, #tpu.memory_space<semaphore_mem>>)
      } else {
      }
      %add3A_101 = arith.constant 1 : i32
      %add3A_102 = arith.addi %mul3A_74, %add3A_101 : i32
      %dma_wait3A_103 = arith.constant 0 : i32
      %dma_wait3A_104 = tpu.memref_slice %arg7[%add3A_102, %dma_wait3A_103] : memref<80x128xi32, #tpu.memory_space<vmem>> -> memref<1x128xi32, #tpu.memory_space<vmem>>
      %dma_wait3A_105 = tpu.memref_squeeze %dma_wait3A_104 : memref<1x128xi32, #tpu.memory_space<vmem>> -> memref<128xi32, #tpu.memory_space<vmem>>
      %dma_wait3A_106 = arith.constant 0 : i32
      %dma_wait3A_107 = arith.constant 0 : i32
      %dma_wait3A_108 = tpu.memref_slice %arg2[%arg0, %dma_wait3A_106, %dma_wait3A_107] : memref<2x10240x128xf32, #tpu.memory_space<hbm>> -> memref<1x10240x128xf32, #tpu.memory_space<hbm>>
      %dma_wait3A_109 = tpu.memref_squeeze %dma_wait3A_108 : memref<1x10240x128xf32, #tpu.memory_space<hbm>> -> memref<10240x128xf32, #tpu.memory_space<hbm>>
      %dma_wait3A_110 = arith.constant 0 : i32
      %dma_wait3A_111 = arith.constant 0 : i32
      %dma_wait3A_112 = tpu.memref_slice %dma_wait3A_109[%dma_wait3A_110, %dma_wait3A_111] : memref<10240x128xf32, #tpu.memory_space<hbm>> -> memref<10240x128xf32, #tpu.memory_space<hbm>>
      tpu.wait_indirect_dma semaphore(%arg13 : memref<!tpu.dma_semaphore, #tpu.memory_space<semaphore_mem>>) src(%dma_wait3A_112 : memref<10240x128xf32, #tpu.memory_space<hbm>>) dst(%arg11 : memref<128x128xf32, #tpu.memory_space<vmem>>)
      %add3A_113 = arith.constant 1 : i32
      %add3A_114 = arith.addi %mul3A_74, %add3A_113 : i32
      %dma_wait3A_115 = arith.constant 0 : i32
      %dma_wait3A_116 = tpu.memref_slice %arg4[%arg1, %add3A_114, %dma_wait3A_115] : memref<16x80x128xi32, #tpu.memory_space<hbm>> -> memref<1x1x128xi32, #tpu.memory_space<hbm>>
      %dma_wait3A_117 = tpu.memref_squeeze %dma_wait3A_116 : memref<1x1x128xi32, #tpu.memory_space<hbm>> -> memref<128xi32, #tpu.memory_space<hbm>>
      %dma_wait3A_118 = arith.constant 0 : i32
      %dma_wait3A_119 = tpu.memref_slice %arg4[%arg1, %add3A_114, %dma_wait3A_118] : memref<16x80x128xi32, #tpu.memory_space<hbm>> -> memref<1x1x128xi32, #tpu.memory_space<hbm>>
      %dma_wait3A_120 = tpu.memref_squeeze %dma_wait3A_119 : memref<1x1x128xi32, #tpu.memory_space<hbm>> -> memref<128xi32, #tpu.memory_space<hbm>>
      tpu.wait_dma2 semaphore(%arg15 : memref<!tpu.dma_semaphore, #tpu.memory_space<semaphore_mem>>) src(%dma_wait3A_120 : memref<128xi32, #tpu.memory_space<hbm>>) dst(%arg9 : memref<128xi32, #tpu.memory_space<vmem>>)
      "tpu.region"() ({
        %run_scoped3A = tpu.sem_alloc : memref<!tpu.dma_semaphore, #tpu.memory_space<semaphore_mem>>
        %dma_start3A_130 = arith.constant 0 : i32
        %dma_start3A_131 = arith.constant 0 : i32
        %dma_start3A_132 = tpu.memref_slice %arg6[%dma_start3A_130, %dma_start3A_131] : memref<10240x128xf32, #tpu.memory_space<vmem_shared>> -> memref<10240x128xf32, #tpu.memory_space<vmem_shared>>
        tpu.enqueue_indirect_dma source(%arg11 : memref<128x128xf32, #tpu.memory_space<vmem>>) target(%dma_start3A_132 : memref<10240x128xf32, #tpu.memory_space<vmem_shared>>) offsets(%arg9 : memref<128xi32, #tpu.memory_space<vmem>>) semaphore(%run_scoped3A : memref<!tpu.dma_semaphore, #tpu.memory_space<semaphore_mem>>) {add = true}
        %dma_wait3A_133 = arith.constant 0 : i32
        %dma_wait3A_134 = arith.constant 0 : i32
        %dma_wait3A_135 = tpu.memref_slice %arg6[%dma_wait3A_133, %dma_wait3A_134] : memref<10240x128xf32, #tpu.memory_space<vmem_shared>> -> memref<10240x128xf32, #tpu.memory_space<vmem_shared>>
        tpu.wait_indirect_dma semaphore(%run_scoped3A : memref<!tpu.dma_semaphore, #tpu.memory_space<semaphore_mem>>) src(%arg11 : memref<128x128xf32, #tpu.memory_space<vmem>>) dst(%dma_wait3A_135 : memref<10240x128xf32, #tpu.memory_space<vmem_shared>>)
        tpu.yield
      }) : () -> ()
      %add3A_121 = arith.constant 1 : i32
      %add3A_122 = arith.addi %mul3A_74, %add3A_121 : i32
      %add3A_123 = arith.constant 2 : i32
      %add3A_124 = arith.addi %add3A_122, %add3A_123 : i32
      %lt3A_125 = arith.constant 80 : i32
      %lt3A_126 = arith.cmpi slt, %add3A_124, %lt3A_125 : i32
      %convert_element_type3A_127 = arith.extui %lt3A_126 : i1 to i32
      %cond3A_128 = arith.constant 0 : i32
      %cond3A_129 = arith.cmpi ne, %convert_element_type3A_127, %cond3A_128 : i32
      scf.if %cond3A_129 {
        %add3A_130 = arith.constant 1 : i32
        %add3A_131 = arith.addi %mul3A_74, %add3A_130 : i32
        %add3A_132 = arith.constant 2 : i32
        %add3A_133 = arith.addi %add3A_131, %add3A_132 : i32
        %dma_start3A_134 = arith.constant 0 : i32
        %dma_start3A_135 = tpu.memref_slice %arg4[%arg1, %add3A_133, %dma_start3A_134] : memref<16x80x128xi32, #tpu.memory_space<hbm>> -> memref<1x1x128xi32, #tpu.memory_space<hbm>>
        %dma_start3A_136 = tpu.memref_squeeze %dma_start3A_135 : memref<1x1x128xi32, #tpu.memory_space<hbm>> -> memref<128xi32, #tpu.memory_space<hbm>>
        %dma_start3A_137 = arith.constant 0 : i32
        %dma_start3A_138 = tpu.memref_slice %arg4[%arg1, %add3A_133, %dma_start3A_137] : memref<16x80x128xi32, #tpu.memory_space<hbm>> -> memref<1x1x128xi32, #tpu.memory_space<hbm>>
        %dma_start3A_139 = tpu.memref_squeeze %dma_start3A_138 : memref<1x1x128xi32, #tpu.memory_space<hbm>> -> memref<128xi32, #tpu.memory_space<hbm>>
        tpu.enqueue_dma source(%dma_start3A_139 : memref<128xi32, #tpu.memory_space<hbm>>) target(%arg9 : memref<128xi32, #tpu.memory_space<vmem>>) target_semaphore(%arg15 : memref<!tpu.dma_semaphore, #tpu.memory_space<semaphore_mem>>)
        %add3A_140 = arith.constant 1 : i32
        %add3A_141 = arith.addi %mul3A_74, %add3A_140 : i32
        %add3A_142 = arith.constant 2 : i32
        %add3A_143 = arith.addi %add3A_141, %add3A_142 : i32
        %dma_start3A_144 = arith.constant 0 : i32
        %dma_start3A_145 = tpu.memref_slice %arg7[%add3A_143, %dma_start3A_144] : memref<80x128xi32, #tpu.memory_space<vmem>> -> memref<1x128xi32, #tpu.memory_space<vmem>>
        %dma_start3A_146 = tpu.memref_squeeze %dma_start3A_145 : memref<1x128xi32, #tpu.memory_space<vmem>> -> memref<128xi32, #tpu.memory_space<vmem>>
        %dma_start3A_147 = arith.constant 0 : i32
        %dma_start3A_148 = arith.constant 0 : i32
        %dma_start3A_149 = tpu.memref_slice %arg2[%arg0, %dma_start3A_147, %dma_start3A_148] : memref<2x10240x128xf32, #tpu.memory_space<hbm>> -> memref<1x10240x128xf32, #tpu.memory_space<hbm>>
        %dma_start3A_150 = tpu.memref_squeeze %dma_start3A_149 : memref<1x10240x128xf32, #tpu.memory_space<hbm>> -> memref<10240x128xf32, #tpu.memory_space<hbm>>
        %dma_start3A_151 = arith.constant 0 : i32
        %dma_start3A_152 = arith.constant 0 : i32
        %dma_start3A_153 = tpu.memref_slice %dma_start3A_150[%dma_start3A_151, %dma_start3A_152] : memref<10240x128xf32, #tpu.memory_space<hbm>> -> memref<10240x128xf32, #tpu.memory_space<hbm>>
        tpu.enqueue_indirect_dma source(%dma_start3A_153 : memref<10240x128xf32, #tpu.memory_space<hbm>>) target(%arg11 : memref<128x128xf32, #tpu.memory_space<vmem>>) offsets(%dma_start3A_146 : memref<128xi32, #tpu.memory_space<vmem>>) semaphore(%arg13 : memref<!tpu.dma_semaphore, #tpu.memory_space<semaphore_mem>>)
      } else {
      }
    }
    %scan3A_64 = arith.constant 40 : i32
    %barrier3A_65 = arith.constant 0 : index
    tpu.barrier barrier_id(%barrier3A_65)
    %mul3A = arith.constant 640 : i32
    %mul3A_66 = arith.muli %arg1, %mul3A : i32
    %mul3A_67 = arith.constant 640 : i32
    %mul3A_68 = arith.muli %arg1, %mul3A_67 : i32
    "tpu.region"() ({
      %run_scoped3A = tpu.sem_alloc : memref<!tpu.dma_semaphore, #tpu.memory_space<semaphore_mem>>
      %dma_start3A_69 = arith.constant 0 : i32
      %dma_start3A_70 = tpu.memref_slice %arg5[%arg0, %mul3A_68, %dma_start3A_69] : memref<2x10240x128xf32, #tpu.memory_space<hbm>> -> memref<1x640x128xf32, #tpu.memory_space<hbm>>
      %dma_start3A_71 = tpu.memref_squeeze %dma_start3A_70 : memref<1x640x128xf32, #tpu.memory_space<hbm>> -> memref<640x128xf32, #tpu.memory_space<hbm>>
      %dma_start3A_72 = arith.constant 0 : i32
      %dma_start3A_73 = tpu.memref_slice %arg6[%mul3A_66, %dma_start3A_72] : memref<10240x128xf32, #tpu.memory_space<vmem_shared>> -> memref<640x128xf32, #tpu.memory_space<vmem_shared>>
      tpu.enqueue_dma source(%dma_start3A_73 : memref<640x128xf32, #tpu.memory_space<vmem_shared>>) target(%dma_start3A_71 : memref<640x128xf32, #tpu.memory_space<hbm>>) target_semaphore(%run_scoped3A : memref<!tpu.dma_semaphore, #tpu.memory_space<semaphore_mem>>)
      %dma_wait3A_74 = arith.constant 0 : i32
      %dma_wait3A_75 = tpu.memref_slice %arg5[%arg0, %mul3A_68, %dma_wait3A_74] : memref<2x10240x128xf32, #tpu.memory_space<hbm>> -> memref<1x640x128xf32, #tpu.memory_space<hbm>>
      %dma_wait3A_76 = tpu.memref_squeeze %dma_wait3A_75 : memref<1x640x128xf32, #tpu.memory_space<hbm>> -> memref<640x128xf32, #tpu.memory_space<hbm>>
      %dma_wait3A_77 = arith.constant 0 : i32
      %dma_wait3A_78 = tpu.memref_slice %arg6[%mul3A_66, %dma_wait3A_77] : memref<10240x128xf32, #tpu.memory_space<vmem_shared>> -> memref<640x128xf32, #tpu.memory_space<vmem_shared>>
      tpu.wait_dma2 semaphore(%run_scoped3A : memref<!tpu.dma_semaphore, #tpu.memory_space<semaphore_mem>>) src(%dma_wait3A_78 : memref<640x128xf32, #tpu.memory_space<vmem_shared>>) dst(%dma_wait3A_76 : memref<640x128xf32, #tpu.memory_space<hbm>>)
      tpu.yield
    }) : () -> ()
    return
  }
}

module attributes {stable_mosaic.version = 14 : i64} {
  func.func @_tc2_body(%arg0: i32, %arg1: memref<2x1280x128xf32, #tpu.memory_space<vmem>>, %arg2: memref<2x32x1280xi32, #tpu.memory_space<vmem>>, %arg3: memref<1x256xf32, #tpu.memory_space<vmem>>, %arg4: memref<256x256xf32, #tpu.memory_space<vmem>>, %arg5: memref<2x1280x128xf32, #tpu.memory_space<vmem>>) attributes {dimension_semantics = [#tpu.dimension_semantics<arbitrary>], iteration_bounds = array<i64: 8>, scalar_prefetch = 0 : i64, scratch_operands = 0 : i64, tpu.core_type = #tpu.core_type<tc>, window_params = [{transform_indices = @transform_0, window_bounds = array<i64: 2, 1280, 128>}, {transform_indices = @transform_1, window_bounds = array<i64: 2, 32, 1280>}, {pipeline_mode = #tpu.pipeline_mode<synchronous>, transform_indices = @transform_2, window_bounds = array<i64: 1, 256>}, {pipeline_mode = #tpu.pipeline_mode<synchronous>, transform_indices = @transform_3, window_bounds = array<i64: 256, 256>}, {transform_indices = @transform_4, window_bounds = array<i64: 2, 1280, 128>}]} {
    %get3A = arith.constant 0 : index
    %get3A_0 = arith.constant 0 : index
    %get3A_1 = arith.constant 0 : index
    %get3A_2 = vector.load %arg2[%get3A, %get3A_0, %get3A_1] : memref<2x32x1280xi32, #tpu.memory_space<vmem>>, vector<1x32x1280xi32>
    %get3A_3 = vector.shape_cast %get3A_2 : vector<1x32x1280xi32> to vector<32x1280xi32>
    %reduce_sum3A = arith.constant dense<0> : vector<1280xi32>
    %reduce_sum3A_4 = vector.multi_reduction <add>, %get3A_3, %reduce_sum3A [0] : vector<32x1280xi32> to vector<1280xi32>
    %get3A_5 = arith.constant 1 : index
    %get3A_6 = arith.constant 0 : index
    %get3A_7 = arith.constant 0 : index
    %get3A_8 = vector.load %arg2[%get3A_5, %get3A_6, %get3A_7] : memref<2x32x1280xi32, #tpu.memory_space<vmem>>, vector<1x32x1280xi32>
    %get3A_9 = vector.shape_cast %get3A_8 : vector<1x32x1280xi32> to vector<32x1280xi32>
    %reduce_sum3A_10 = arith.constant dense<0> : vector<1280xi32>
    %reduce_sum3A_11 = vector.multi_reduction <add>, %get3A_9, %reduce_sum3A_10 [0] : vector<32x1280xi32> to vector<1280xi32>
    %max3A = arith.constant 1 : i32
    %max3A_12 = vector.broadcast %max3A : i32 to vector<1280xi32>
    %max3A_13 = arith.maxsi %reduce_sum3A_4, %max3A_12 : vector<1280xi32>
    %convert_element_type3A = arith.sitofp %max3A_13 : vector<1280xi32> to vector<1280xf32>
    %rsqrt3A = math.rsqrt %convert_element_type3A : vector<1280xf32>
    %broadcast_in_dim3A = vector.shape_cast %rsqrt3A : vector<1280xf32> to vector<1280x1xf32>
    %max3A_14 = arith.constant 1 : i32
    %max3A_15 = vector.broadcast %max3A_14 : i32 to vector<1280xi32>
    %max3A_16 = arith.maxsi %reduce_sum3A_11, %max3A_15 : vector<1280xi32>
    %convert_element_type3A_17 = arith.sitofp %max3A_16 : vector<1280xi32> to vector<1280xf32>
    %rsqrt3A_18 = math.rsqrt %convert_element_type3A_17 : vector<1280xf32>
    %broadcast_in_dim3A_19 = vector.shape_cast %rsqrt3A_18 : vector<1280xf32> to vector<1280x1xf32>
    %get3A_20 = arith.constant 0 : index
    %get3A_21 = arith.constant 0 : index
    %get3A_22 = arith.constant 0 : index
    %get3A_23 = vector.load %arg1[%get3A_20, %get3A_21, %get3A_22] : memref<2x1280x128xf32, #tpu.memory_space<vmem>>, vector<1x1280x128xf32>
    %get3A_24 = vector.shape_cast %get3A_23 : vector<1x1280x128xf32> to vector<1280x128xf32>
    %mul3A = vector.broadcast %broadcast_in_dim3A_19 : vector<1280x1xf32> to vector<1280x128xf32>
    %mul3A_25 = arith.mulf %get3A_24, %mul3A : vector<1280x128xf32>
    %get3A_26 = arith.constant 0 : index
    %get3A_27 = arith.constant 0 : index
    %get3A_28 = vector.load %arg3[%get3A_26, %get3A_27] : memref<1x256xf32, #tpu.memory_space<vmem>>, vector<1x128xf32>
    %add3A = vector.broadcast %get3A_28 : vector<1x128xf32> to vector<1280x128xf32>
    %add3A_29 = arith.addf %mul3A_25, %add3A : vector<1280x128xf32>
    %max3A_30 = arith.constant 0.000000e+00 : f32
    %max3A_31 = vector.broadcast %max3A_30 : f32 to vector<1280x128xf32>
    %max3A_32 = arith.maximumf %add3A_29, %max3A_31 : vector<1280x128xf32>
    %mul3A_33 = vector.broadcast %broadcast_in_dim3A : vector<1280x1xf32> to vector<1280x128xf32>
    %mul3A_34 = arith.mulf %max3A_32, %mul3A_33 : vector<1280x128xf32>
    %get3A_35 = arith.constant 1 : index
    %get3A_36 = arith.constant 0 : index
    %get3A_37 = arith.constant 0 : index
    %get3A_38 = vector.load %arg1[%get3A_35, %get3A_36, %get3A_37] : memref<2x1280x128xf32, #tpu.memory_space<vmem>>, vector<1x1280x128xf32>
    %get3A_39 = vector.shape_cast %get3A_38 : vector<1x1280x128xf32> to vector<1280x128xf32>
    %mul3A_40 = vector.broadcast %broadcast_in_dim3A_19 : vector<1280x1xf32> to vector<1280x128xf32>
    %mul3A_41 = arith.mulf %get3A_39, %mul3A_40 : vector<1280x128xf32>
    %get3A_42 = arith.constant 0 : index
    %get3A_43 = arith.constant 128 : index
    %get3A_44 = vector.load %arg3[%get3A_42, %get3A_43] : memref<1x256xf32, #tpu.memory_space<vmem>>, vector<1x128xf32>
    %add3A_45 = vector.broadcast %get3A_44 : vector<1x128xf32> to vector<1280x128xf32>
    %add3A_46 = arith.addf %mul3A_41, %add3A_45 : vector<1280x128xf32>
    %max3A_47 = arith.constant 0.000000e+00 : f32
    %max3A_48 = vector.broadcast %max3A_47 : f32 to vector<1280x128xf32>
    %max3A_49 = arith.maximumf %add3A_46, %max3A_48 : vector<1280x128xf32>
    %mul3A_50 = vector.broadcast %broadcast_in_dim3A : vector<1280x1xf32> to vector<1280x128xf32>
    %mul3A_51 = arith.mulf %max3A_49, %mul3A_50 : vector<1280x128xf32>
    %get3A_52 = arith.constant 0 : index
    %get3A_53 = arith.constant 0 : index
    %get3A_54 = vector.load %arg4[%get3A_52, %get3A_53] : memref<256x256xf32, #tpu.memory_space<vmem>>, vector<128x256xf32>
    %dot_general3A = arith.constant dense<0.000000e+00> : vector<1280x256xf32>
    %dot_general3A_55 = tpu.matmul %mul3A_34, %get3A_54, %dot_general3A {dimension_numbers = #tpu.dot_dimension_numbers<[1], [0], [0], [1], [0, 0, 1, 1], [], []>, precision = #tpu.contract_precision<fp32>, transpose_lhs_hint = false} : vector<1280x128xf32>, vector<128x256xf32>, vector<1280x256xf32> -> vector<1280x256xf32>
    %get3A_56 = arith.constant 128 : index
    %get3A_57 = arith.constant 0 : index
    %get3A_58 = vector.load %arg4[%get3A_56, %get3A_57] : memref<256x256xf32, #tpu.memory_space<vmem>>, vector<128x256xf32>
    %dot_general3A_59 = arith.constant dense<0.000000e+00> : vector<1280x256xf32>
    %dot_general3A_60 = tpu.matmul %mul3A_51, %get3A_58, %dot_general3A_59 {dimension_numbers = #tpu.dot_dimension_numbers<[1], [0], [0], [1], [0, 0, 1, 1], [], []>, precision = #tpu.contract_precision<fp32>, transpose_lhs_hint = false} : vector<1280x128xf32>, vector<128x256xf32>, vector<1280x256xf32> -> vector<1280x256xf32>
    %add3A_61 = arith.addf %dot_general3A_55, %dot_general3A_60 : vector<1280x256xf32>
    %slice3A = vector.extract_strided_slice %add3A_61 {offsets = [0, 0], sizes = [1280, 128], strides = [1, 1]} : vector<1280x256xf32> to vector<1280x128xf32>
    %swap3A = arith.constant 0 : index
    %swap3A_62 = arith.constant 0 : index
    %swap3A_63 = arith.constant 0 : index
    %swap3A_64 = vector.load %arg5[%swap3A, %swap3A_62, %swap3A_63] : memref<2x1280x128xf32, #tpu.memory_space<vmem>>, vector<1x1280x128xf32>
    %swap3A_65 = vector.shape_cast %swap3A_64 : vector<1x1280x128xf32> to vector<1280x128xf32>
    %swap3A_66 = vector.shape_cast %slice3A : vector<1280x128xf32> to vector<1x1280x128xf32>
    tpu.vector_store %arg5[%swap3A, %swap3A_62, %swap3A_63], %swap3A_66 {strides = array<i32>} : memref<2x1280x128xf32, #tpu.memory_space<vmem>>, vector<1x1280x128xf32>,
    %slice3A_67 = vector.extract_strided_slice %add3A_61 {offsets = [0, 128], sizes = [1280, 128], strides = [1, 1]} : vector<1280x256xf32> to vector<1280x128xf32>
    %swap3A_68 = arith.constant 1 : index
    %swap3A_69 = arith.constant 0 : index
    %swap3A_70 = arith.constant 0 : index
    %swap3A_71 = vector.load %arg5[%swap3A_68, %swap3A_69, %swap3A_70] : memref<2x1280x128xf32, #tpu.memory_space<vmem>>, vector<1x1280x128xf32>
    %swap3A_72 = vector.shape_cast %swap3A_71 : vector<1x1280x128xf32> to vector<1280x128xf32>
    %swap3A_73 = vector.shape_cast %slice3A_67 : vector<1280x128xf32> to vector<1x1280x128xf32>
    tpu.vector_store %arg5[%swap3A_68, %swap3A_69, %swap3A_70], %swap3A_73 {strides = array<i32>} : memref<2x1280x128xf32, #tpu.memory_space<vmem>>, vector<1x1280x128xf32>,
    return
  }
  func.func @transform_0(%arg0: i32) -> (i32, i32, i32) {
    %c0_i32 = arith.constant 0 : i32
    %c0_i32_0 = arith.constant 0 : i32
    %c0_i32_1 = arith.constant 0 : i32
    return %c0_i32, %arg0, %c0_i32_0 : i32, i32, i32
  }
  func.func @transform_1(%arg0: i32) -> (i32, i32, i32) {
    %c0_i32 = arith.constant 0 : i32
    %c0_i32_0 = arith.constant 0 : i32
    %c0_i32_1 = arith.constant 0 : i32
    return %c0_i32, %c0_i32_0, %arg0 : i32, i32, i32
  }
  func.func @transform_2(%arg0: i32) -> (i32, i32) {
    %c0_i32 = arith.constant 0 : i32
    %c0_i32_0 = arith.constant 0 : i32
    %c0_i32_1 = arith.constant 0 : i32
    return %c0_i32, %c0_i32_0 : i32, i32
  }
  func.func @transform_3(%arg0: i32) -> (i32, i32) {
    %c0_i32 = arith.constant 0 : i32
    %c0_i32_0 = arith.constant 0 : i32
    %c0_i32_1 = arith.constant 0 : i32
    return %c0_i32, %c0_i32_0 : i32, i32
  }
  func.func @transform_4(%arg0: i32) -> (i32, i32, i32) {
    %c0_i32 = arith.constant 0 : i32
    %c0_i32_0 = arith.constant 0 : i32
    %c0_i32_1 = arith.constant 0 : i32
    return %c0_i32, %arg0, %c0_i32_0 : i32, i32, i32
  }
}

module attributes {stable_mosaic.version = 14 : i64} {
  func.func @_tc1_body(%arg0: i32, %arg1: memref<1280x256xf32, #tpu.memory_space<vmem>>, %arg2: memref<2x32x1280xi32, #tpu.memory_space<vmem>>, %arg3: memref<256x256xf32, #tpu.memory_space<vmem>>, %arg4: memref<2x1280x128xf32, #tpu.memory_space<vmem>>) attributes {dimension_semantics = [#tpu.dimension_semantics<arbitrary>], iteration_bounds = array<i64: 8>, scalar_prefetch = 0 : i64, scratch_operands = 0 : i64, tpu.core_type = #tpu.core_type<tc>, window_params = [{transform_indices = @transform_0, window_bounds = array<i64: 1280, 256>}, {transform_indices = @transform_1, window_bounds = array<i64: 2, 32, 1280>}, {pipeline_mode = #tpu.pipeline_mode<synchronous>, transform_indices = @transform_2, window_bounds = array<i64: 256, 256>}, {transform_indices = @transform_3, window_bounds = array<i64: 2, 1280, 128>}]} {
    %get3A = arith.constant 0 : index
    %get3A_0 = arith.constant 0 : index
    %get3A_1 = arith.constant 0 : index
    %get3A_2 = vector.load %arg2[%get3A, %get3A_0, %get3A_1] : memref<2x32x1280xi32, #tpu.memory_space<vmem>>, vector<1x32x1280xi32>
    %get3A_3 = vector.shape_cast %get3A_2 : vector<1x32x1280xi32> to vector<32x1280xi32>
    %reduce_sum3A = arith.constant dense<0> : vector<1280xi32>
    %reduce_sum3A_4 = vector.multi_reduction <add>, %get3A_3, %reduce_sum3A [0] : vector<32x1280xi32> to vector<1280xi32>
    %max3A = arith.constant 1 : i32
    %max3A_5 = vector.broadcast %max3A : i32 to vector<1280xi32>
    %max3A_6 = arith.maxsi %reduce_sum3A_4, %max3A_5 : vector<1280xi32>
    %convert_element_type3A = arith.sitofp %max3A_6 : vector<1280xi32> to vector<1280xf32>
    %rsqrt3A = math.rsqrt %convert_element_type3A : vector<1280xf32>
    %broadcast_in_dim3A = vector.shape_cast %rsqrt3A : vector<1280xf32> to vector<1280x1xf32>
    %get3A_7 = arith.constant 0 : index
    %get3A_8 = arith.constant 0 : index
    %get3A_9 = vector.load %arg1[%get3A_7, %get3A_8] : memref<1280x256xf32, #tpu.memory_space<vmem>>, vector<1280x256xf32>
    %mul3A = vector.broadcast %broadcast_in_dim3A : vector<1280x1xf32> to vector<1280x256xf32>
    %mul3A_10 = arith.mulf %get3A_9, %mul3A : vector<1280x256xf32>
    %get3A_11 = arith.constant 0 : index
    %get3A_12 = arith.constant 0 : index
    %get3A_13 = vector.load %arg3[%get3A_11, %get3A_12] : memref<256x256xf32, #tpu.memory_space<vmem>>, vector<256x256xf32>
    %dot_general3A = arith.constant dense<0.000000e+00> : vector<1280x256xf32>
    %dot_general3A_14 = tpu.matmul %mul3A_10, %get3A_13, %dot_general3A {dimension_numbers = #tpu.dot_dimension_numbers<[1], [0], [0], [1], [0, 0, 1, 1], [], []>, precision = #tpu.contract_precision<fp32>, transpose_lhs_hint = false} : vector<1280x256xf32>, vector<256x256xf32>, vector<1280x256xf32> -> vector<1280x256xf32>
    %slice3A = vector.extract_strided_slice %dot_general3A_14 {offsets = [0, 0], sizes = [1280, 128], strides = [1, 1]} : vector<1280x256xf32> to vector<1280x128xf32>
    %swap3A = arith.constant 0 : index
    %swap3A_15 = arith.constant 0 : index
    %swap3A_16 = arith.constant 0 : index
    %swap3A_17 = vector.load %arg4[%swap3A, %swap3A_15, %swap3A_16] : memref<2x1280x128xf32, #tpu.memory_space<vmem>>, vector<1x1280x128xf32>
    %swap3A_18 = vector.shape_cast %swap3A_17 : vector<1x1280x128xf32> to vector<1280x128xf32>
    %swap3A_19 = vector.shape_cast %slice3A : vector<1280x128xf32> to vector<1x1280x128xf32>
    tpu.vector_store %arg4[%swap3A, %swap3A_15, %swap3A_16], %swap3A_19 {strides = array<i32>} : memref<2x1280x128xf32, #tpu.memory_space<vmem>>, vector<1x1280x128xf32>,
    %slice3A_20 = vector.extract_strided_slice %dot_general3A_14 {offsets = [0, 128], sizes = [1280, 128], strides = [1, 1]} : vector<1280x256xf32> to vector<1280x128xf32>
    %swap3A_21 = arith.constant 1 : index
    %swap3A_22 = arith.constant 0 : index
    %swap3A_23 = arith.constant 0 : index
    %swap3A_24 = vector.load %arg4[%swap3A_21, %swap3A_22, %swap3A_23] : memref<2x1280x128xf32, #tpu.memory_space<vmem>>, vector<1x1280x128xf32>
    %swap3A_25 = vector.shape_cast %swap3A_24 : vector<1x1280x128xf32> to vector<1280x128xf32>
    %swap3A_26 = vector.shape_cast %slice3A_20 : vector<1280x128xf32> to vector<1x1280x128xf32>
    tpu.vector_store %arg4[%swap3A_21, %swap3A_22, %swap3A_23], %swap3A_26 {strides = array<i32>} : memref<2x1280x128xf32, #tpu.memory_space<vmem>>, vector<1x1280x128xf32>,
    return
  }
  func.func @transform_0(%arg0: i32) -> (i32, i32) {
    %c0_i32 = arith.constant 0 : i32
    %c0_i32_0 = arith.constant 0 : i32
    return %arg0, %c0_i32 : i32, i32
  }
  func.func @transform_1(%arg0: i32) -> (i32, i32, i32) {
    %c0_i32 = arith.constant 0 : i32
    %c0_i32_0 = arith.constant 0 : i32
    %c0_i32_1 = arith.constant 0 : i32
    return %c0_i32, %c0_i32_0, %arg0 : i32, i32, i32
  }
  func.func @transform_2(%arg0: i32) -> (i32, i32) {
    %c0_i32 = arith.constant 0 : i32
    %c0_i32_0 = arith.constant 0 : i32
    %c0_i32_1 = arith.constant 0 : i32
    return %c0_i32, %c0_i32_0 : i32, i32
  }
  func.func @transform_3(%arg0: i32) -> (i32, i32, i32) {
    %c0_i32 = arith.constant 0 : i32
    %c0_i32_0 = arith.constant 0 : i32
    %c0_i32_1 = arith.constant 0 : i32
    return %c0_i32, %arg0, %c0_i32_0 : i32, i32, i32
  }
}

module attributes {stable_mosaic.version = 14 : i64} {
  func.func @_tc3_body(%arg0: i32, %arg1: memref<2x1280x128xf32, #tpu.memory_space<vmem>>, %arg2: memref<2x32x1280xi32, #tpu.memory_space<vmem>>, %arg3: memref<1x256xf32, #tpu.memory_space<vmem>>, %arg4: memref<256x64xf32, #tpu.memory_space<vmem>>, %arg5: memref<1x64xf32, #tpu.memory_space<vmem>>, %arg6: memref<1280x64xf32, #tpu.memory_space<vmem>>) attributes {dimension_semantics = [#tpu.dimension_semantics<arbitrary>], iteration_bounds = array<i64: 8>, scalar_prefetch = 0 : i64, scratch_operands = 0 : i64, tpu.core_type = #tpu.core_type<tc>, window_params = [{transform_indices = @transform_0, window_bounds = array<i64: 2, 1280, 128>}, {transform_indices = @transform_1, window_bounds = array<i64: 2, 32, 1280>}, {pipeline_mode = #tpu.pipeline_mode<synchronous>, transform_indices = @transform_2, window_bounds = array<i64: 1, 256>}, {pipeline_mode = #tpu.pipeline_mode<synchronous>, transform_indices = @transform_3, window_bounds = array<i64: 256, 64>}, {pipeline_mode = #tpu.pipeline_mode<synchronous>, transform_indices = @transform_4, window_bounds = array<i64: 1, 64>}, {transform_indices = @transform_5, window_bounds = array<i64: 1280, 64>}]} {
    %get3A = arith.constant 1 : index
    %get3A_0 = arith.constant 0 : index
    %get3A_1 = arith.constant 0 : index
    %get3A_2 = vector.load %arg2[%get3A, %get3A_0, %get3A_1] : memref<2x32x1280xi32, #tpu.memory_space<vmem>>, vector<1x32x1280xi32>
    %get3A_3 = vector.shape_cast %get3A_2 : vector<1x32x1280xi32> to vector<32x1280xi32>
    %reduce_sum3A = arith.constant dense<0> : vector<1280xi32>
    %reduce_sum3A_4 = vector.multi_reduction <add>, %get3A_3, %reduce_sum3A [0] : vector<32x1280xi32> to vector<1280xi32>
    %max3A = arith.constant 1 : i32
    %max3A_5 = vector.broadcast %max3A : i32 to vector<1280xi32>
    %max3A_6 = arith.maxsi %reduce_sum3A_4, %max3A_5 : vector<1280xi32>
    %convert_element_type3A = arith.sitofp %max3A_6 : vector<1280xi32> to vector<1280xf32>
    %rsqrt3A = math.rsqrt %convert_element_type3A : vector<1280xf32>
    %broadcast_in_dim3A = vector.shape_cast %rsqrt3A : vector<1280xf32> to vector<1280x1xf32>
    %get3A_7 = arith.constant 0 : index
    %get3A_8 = arith.constant 0 : index
    %get3A_9 = arith.constant 0 : index
    %get3A_10 = vector.load %arg1[%get3A_7, %get3A_8, %get3A_9] : memref<2x1280x128xf32, #tpu.memory_space<vmem>>, vector<1x1280x128xf32>
    %get3A_11 = vector.shape_cast %get3A_10 : vector<1x1280x128xf32> to vector<1280x128xf32>
    %mul3A = vector.broadcast %broadcast_in_dim3A : vector<1280x1xf32> to vector<1280x128xf32>
    %mul3A_12 = arith.mulf %get3A_11, %mul3A : vector<1280x128xf32>
    %get3A_13 = arith.constant 0 : index
    %get3A_14 = arith.constant 0 : index
    %get3A_15 = vector.load %arg3[%get3A_13, %get3A_14] : memref<1x256xf32, #tpu.memory_space<vmem>>, vector<1x128xf32>
    %add3A = vector.broadcast %get3A_15 : vector<1x128xf32> to vector<1280x128xf32>
    %add3A_16 = arith.addf %mul3A_12, %add3A : vector<1280x128xf32>
    %max3A_17 = arith.constant 0.000000e+00 : f32
    %max3A_18 = vector.broadcast %max3A_17 : f32 to vector<1280x128xf32>
    %max3A_19 = arith.maximumf %add3A_16, %max3A_18 : vector<1280x128xf32>
    %get3A_20 = arith.constant 1 : index
    %get3A_21 = arith.constant 0 : index
    %get3A_22 = arith.constant 0 : index
    %get3A_23 = vector.load %arg1[%get3A_20, %get3A_21, %get3A_22] : memref<2x1280x128xf32, #tpu.memory_space<vmem>>, vector<1x1280x128xf32>
    %get3A_24 = vector.shape_cast %get3A_23 : vector<1x1280x128xf32> to vector<1280x128xf32>
    %mul3A_25 = vector.broadcast %broadcast_in_dim3A : vector<1280x1xf32> to vector<1280x128xf32>
    %mul3A_26 = arith.mulf %get3A_24, %mul3A_25 : vector<1280x128xf32>
    %get3A_27 = arith.constant 0 : index
    %get3A_28 = arith.constant 128 : index
    %get3A_29 = vector.load %arg3[%get3A_27, %get3A_28] : memref<1x256xf32, #tpu.memory_space<vmem>>, vector<1x128xf32>
    %add3A_30 = vector.broadcast %get3A_29 : vector<1x128xf32> to vector<1280x128xf32>
    %add3A_31 = arith.addf %mul3A_26, %add3A_30 : vector<1280x128xf32>
    %max3A_32 = arith.constant 0.000000e+00 : f32
    %max3A_33 = vector.broadcast %max3A_32 : f32 to vector<1280x128xf32>
    %max3A_34 = arith.maximumf %add3A_31, %max3A_33 : vector<1280x128xf32>
    %get3A_35 = arith.constant 0 : index
    %get3A_36 = arith.constant 0 : index
    %get3A_37 = vector.load %arg4[%get3A_35, %get3A_36] : memref<256x64xf32, #tpu.memory_space<vmem>>, vector<128x64xf32>
    %dot_general3A = arith.constant dense<0.000000e+00> : vector<1280x64xf32>
    %dot_general3A_38 = tpu.matmul %max3A_19, %get3A_37, %dot_general3A {dimension_numbers = #tpu.dot_dimension_numbers<[1], [0], [0], [1], [0, 0, 1, 1], [], []>, precision = #tpu.contract_precision<fp32>, transpose_lhs_hint = false} : vector<1280x128xf32>, vector<128x64xf32>, vector<1280x64xf32> -> vector<1280x64xf32>
    %get3A_39 = arith.constant 128 : index
    %get3A_40 = arith.constant 0 : index
    %get3A_41 = vector.load %arg4[%get3A_39, %get3A_40] : memref<256x64xf32, #tpu.memory_space<vmem>>, vector<128x64xf32>
    %dot_general3A_42 = arith.constant dense<0.000000e+00> : vector<1280x64xf32>
    %dot_general3A_43 = tpu.matmul %max3A_34, %get3A_41, %dot_general3A_42 {dimension_numbers = #tpu.dot_dimension_numbers<[1], [0], [0], [1], [0, 0, 1, 1], [], []>, precision = #tpu.contract_precision<fp32>, transpose_lhs_hint = false} : vector<1280x128xf32>, vector<128x64xf32>, vector<1280x64xf32> -> vector<1280x64xf32>
    %add3A_44 = arith.addf %dot_general3A_38, %dot_general3A_43 : vector<1280x64xf32>
    %get3A_45 = arith.constant 0 : index
    %get3A_46 = arith.constant 0 : index
    %get3A_47 = vector.load %arg5[%get3A_45, %get3A_46] : memref<1x64xf32, #tpu.memory_space<vmem>>, vector<1x64xf32>
    %add3A_48 = vector.broadcast %get3A_47 : vector<1x64xf32> to vector<1280x64xf32>
    %add3A_49 = arith.addf %add3A_44, %add3A_48 : vector<1280x64xf32>
    %swap3A = arith.constant 0 : index
    %swap3A_50 = arith.constant 0 : index
    %swap3A_51 = vector.load %arg6[%swap3A, %swap3A_50] : memref<1280x64xf32, #tpu.memory_space<vmem>>, vector<1280x64xf32>
    tpu.vector_store %arg6[%swap3A, %swap3A_50], %add3A_49 {strides = array<i32>} : memref<1280x64xf32, #tpu.memory_space<vmem>>, vector<1280x64xf32>,
    return
  }
  func.func @transform_0(%arg0: i32) -> (i32, i32, i32) {
    %c0_i32 = arith.constant 0 : i32
    %c0_i32_0 = arith.constant 0 : i32
    %c0_i32_1 = arith.constant 0 : i32
    return %c0_i32, %arg0, %c0_i32_0 : i32, i32, i32
  }
  func.func @transform_1(%arg0: i32) -> (i32, i32, i32) {
    %c0_i32 = arith.constant 0 : i32
    %c0_i32_0 = arith.constant 0 : i32
    %c0_i32_1 = arith.constant 0 : i32
    return %c0_i32, %c0_i32_0, %arg0 : i32, i32, i32
  }
  func.func @transform_2(%arg0: i32) -> (i32, i32) {
    %c0_i32 = arith.constant 0 : i32
    %c0_i32_0 = arith.constant 0 : i32
    %c0_i32_1 = arith.constant 0 : i32
    return %c0_i32, %c0_i32_0 : i32, i32
  }
  func.func @transform_3(%arg0: i32) -> (i32, i32) {
    %c0_i32 = arith.constant 0 : i32
    %c0_i32_0 = arith.constant 0 : i32
    %c0_i32_1 = arith.constant 0 : i32
    return %c0_i32, %c0_i32_0 : i32, i32
  }
  func.func @transform_4(%arg0: i32) -> (i32, i32) {
    %c0_i32 = arith.constant 0 : i32
    %c0_i32_0 = arith.constant 0 : i32
    %c0_i32_1 = arith.constant 0 : i32
    return %c0_i32, %c0_i32_0 : i32, i32
  }
  func.func @transform_5(%arg0: i32) -> (i32, i32) {
    %c0_i32 = arith.constant 0 : i32
    %c0_i32_0 = arith.constant 0 : i32
    return %arg0, %c0_i32 : i32, i32
  }
}

</mosaic_0001>

<sc_bundles>
// kernel: kernel.11.cloned.1.call-start
scs
__scs_entry_jumppad:
0x0: {  	(pc) =	sbr.rel $0x88, $3  }
0x1: {  	(tag) =	ssettag $0x0;
	lr =	simm.s32 $0x1  }
0x2: {  	[smem:$0x3F99] =	sst lr;
	_ =	strace $0xD0000000  }
0x3: {  	_ = 	snop  }
0x4: {  	_ = 	snop  }
0x5: {  	_ = 	snop  }
0x6: {  	_ = 	snop  }
0x7: {  	_ = 	snop  }
__scs_overlays_trampoline_lowered:
0x8: {  	[smem:$0x3FA8] =	sst s0  }
0x9: {  	[smem:$0x3FA9] =	sst s1  }
0xa: {  	[smem:$0x3FAA] =	sst s2  }
0xb: {  	[smem:$0x3FAB] =	sst s3  }
0xc: {  	[smem:$0x3FAC] =	sst s4  }
0xd: {  	[smem:$0x3FAD] =	sst s5  }
0xe: {  	[smem:$0x3FAE] =	sst s6  }
0xf: {  	[smem:$0x3FAF] =	sst s7  }
0x10: {  	[smem:$0x3FB0] =	sst s8  }
0x11: {  	[smem:$0x3FB1] =	sst s9;
	s0 =	simm.s32 @!p0 $0x0  }
0x12: {  	s1 =	sld [smem:$0x3F97];
	s0 =	simm.s32 @p0 $0x1  }
0x13: {  	[smem:$0x3FB2] =	sst s0;
	s0 =	simm.s32 @!p1 $0x0  }
0x14: {  	s2 =	sld [smem:$0x3F96];
	s0 =	simm.s32 @p1 $0x1  }
0x15: {  	[smem:$0x3FB3] =	sst s0;
	s0 =	simm.s32 @!p2 $0x0  }
0x16: {  	s3 =	sld [smem:$0x3FDB];
	s0 =	simm.s32 @p2 $0x1  }
0x17: {  	s4 =	simm.s32 $0x1BF5;
	[smem:$0x3FB5] =	sst s0  }
0x18: {  	s0 =	sld [smem:$0x3F98];
	_ =	swait.ge [sflag:s4], $0x0  }
0x19: {  	s7 =	sld [smem:$0x3F99]  }
0x1a: {  	s8 =	sadd.s32 $0xFFFFE003, lr  }
0x1b: {  	s9 =	sadd.s32 $0xFFFFFEF7, lr;
	s5 =	simm.s32 $0xFFFFFFFF;
	p2 =	slt.u32 s8, $0xFFFFF086  }
0x1c: {  	p1 =	slt.u32 s9, $0xF7A;
	s5 =	simm.s32 @!p2 $0x0  }
0x1d: {  	s5 =	simm.s32 @p1 $0x1;
	p0 =	seq.s32 s7, s2  }
0x1e: {  	s7 =	smul.u32 @!p0 $0xF7A, s2;
	p2 =	seq.s32 @!p0 s5, $0x0  }
0x1f: {  	s9 =	smul.u32 $0xF7A, s1;
	s8 =	simm.s32 @!p0 $0x1BF5;
	p2 =	por !p2, p0  }
0x20: {  	[sflag:s8] =	ssyncset.s32 @!p0 $0xFFFFF086;
	s6 =	sadd.s32 @!p0 s3, s7;
	s7 =	simm.s32 @!p0 $0x108  }
0x21: {  	s3 =	sadd.s32 s3, s9;
	s6 =	sadd.s32 @!p0 $0x88, s6;
	s7 =	simm.s32 @p2 $0x1082  }
0x22: {  	[simem:s7], [sflag:s8] =	dma.local @!p0 [hbm:s6], $0xF7A  }
0x23: {  	s9 =	sor.u32 $0xD0000000, s2;
	s6 =	simm.s32 $0x108;
	_ =	swait.ge @!p0 [sflag:s8], $0x0  }
0x24: {  	s3 =	sadd.s32 $0x88, s3;
	s6 =	simm.s32 @!p1 $0x1082;
	[sflag:s4] =	ssyncset.s32 $0xFFFFF086  }
0x25: {  	[simem:s6], [sflag:s4] =	dma.local [hbm:s3], $0xF7A  }
0x26: {  	[smem:$0x3F99] =	sst s1;
	(tag) =	ssettag s2;
	_ =	strace s9  }
0x27: {  	s1 =	sld [smem:$0x3FA9]  }
0x28: {  	s2 =	sld [smem:$0x3FAA]  }
0x29: {  	s4 =	sld [smem:$0x3FAC]  }
0x2a: {  	p0 =	seq.s32 s5, $0x0;
	s5 =	sld [smem:$0x3FAD]  }
0x2b: {  	s6 =	sld [smem:$0x3FAE]  }
0x2c: {  	s7 =	sld [smem:$0x3FAF]  }
0x2d: {  	s3 =	simm.s32 $0x108;
	s8 =	sld [smem:$0x3FB0]  }
0x2e: {  	s3 =	simm.s32 @!p0 $0x1082;
	s9 =	sld [smem:$0x3FB1]  }
0x2f: {  	lr =	sadd.s32 s0, s3;
	s0 =	sld [smem:$0x3FA8]  }
0x30: {  	s3 =	sld [smem:$0x3FAB]  }
0x31: {  	[smem:$0x3FB4] =	sst s10  }
0x32: {  	s10 =	sld [smem:$0x3FB2];
	_ =	sdelay $0x3  }
0x33: {  	p0 =	seq.s32 s10, $0x1;
	s10 =	sld [smem:$0x3FB4];
	_ =	sdelay $0x3  }
0x34: {  	[smem:$0x3FB4] =	sst s10  }
0x35: {  	s10 =	sld [smem:$0x3FB3];
	_ =	sdelay $0x3  }
0x36: {  	p1 =	seq.s32 s10, $0x1;
	s10 =	sld [smem:$0x3FB4];
	_ =	sdelay $0x3  }
0x37: {  	[smem:$0x3FB4] =	sst s10  }
0x38: {  	s10 =	sld [smem:$0x3FB5]  }
0x39: {  	_ = 	snop;
	(pc) =	sbr.ind lr, $3  }
0x3a: {  	_ = 	snop  }
0x3b: {  	_ = 	snop  }
0x3c: {  	p2 =	seq.s32 s10, $0x1;
	s10 =	sld [smem:$0x3FB4]  }
0x3d: {  	_ =	shalt  }
0x3e: {  	_ =	shalt  }
0x3f: {  	_ =	shalt  }
0x40: {  	_ =	shalt  }
0x41: {  	_ =	shalt  }
0x42: {  	_ =	shalt  }
0x43: {  	_ =	shalt  }
0x44: {  	_ =	shalt  }
0x45: {  	_ =	shalt  }
0x46: {  	_ =	shalt  }
0x47: {  	_ =	shalt  }
0x48: {  	_ =	shalt  }
0x49: {  	_ =	shalt  }
0x4a: {  	_ =	shalt  }
0x4b: {  	_ =	shalt  }
0x4c: {  	_ =	shalt  }
0x4d: {  	_ =	shalt  }
0x4e: {  	_ =	shalt  }
0x4f: {  	_ =	shalt  }
0x50: {  	_ =	shalt  }
0x51: {  	_ =	shalt  }
0x52: {  	_ =	shalt  }
0x53: {  	_ =	shalt  }
0x54: {  	_ =	shalt  }
0x55: {  	_ =	shalt  }
0x56: {  	_ =	shalt  }
0x57: {  	_ =	shalt  }
0x58: {  	_ =	shalt  }
0x59: {  	_ =	shalt  }
0x5a: {  	_ =	shalt  }
0x5b: {  	_ =	shalt  }
0x5c: {  	_ =	shalt  }
0x5d: {  	_ =	shalt  }
0x5e: {  	_ =	shalt  }
0x5f: {  	_ =	shalt  }
0x60: {  	_ =	shalt  }
0x61: {  	_ =	shalt  }
0x62: {  	_ =	shalt  }
0x63: {  	_ =	shalt  }
0x64: {  	_ =	shalt  }
0x65: {  	_ =	shalt  }
0x66: {  	_ =	shalt  }
0x67: {  	_ =	shalt  }
0x68: {  	_ =	shalt  }
0x69: {  	_ =	shalt  }
0x6a: {  	_ =	shalt  }
0x6b: {  	_ =	shalt  }
0x6c: {  	_ =	shalt  }
0x6d: {  	_ =	shalt  }
0x6e: {  	_ =	shalt  }
0x6f: {  	_ =	shalt  }
0x70: {  	_ =	shalt  }
0x71: {  	_ =	shalt  }
0x72: {  	_ =	shalt  }
0x73: {  	_ =	shalt  }
0x74: {  	_ =	shalt  }
0x75: {  	_ =	shalt  }
0x76: {  	_ =	shalt  }
0x77: {  	_ =	shalt  }
0x78: {  	_ =	shalt  }
0x79: {  	_ =	shalt  }
0x7a: {  	_ =	shalt  }
0x7b: {  	_ =	shalt  }
0x7c: {  	_ =	shalt  }
0x7d: {  	_ =	shalt  }
0x7e: {  	_ =	shalt  }
0x7f: {  	_ =	shalt  }
0x80: {  	_ =	shalt  }
0x81: {  	_ =	shalt  }
0x82: {  	_ =	shalt  }
0x83: {  	_ =	shalt  }
0x84: {  	_ =	shalt  }
0x85: {  	_ =	shalt  }
0x86: {  	_ =	shalt  }
0x87: {  	_ =	shalt  }
.Lfunc_end0:
.L_simem_size_0:
called_computation.1_lowered:
.L_overlay_start_0:
0x88: {  	s2 =	sld [smem:$0x3FD9]  }
0x89: {  	s3 =	sld [smem:$0x3FFE];
	_ =	sdelay $0x1  }
0x8a: {  	s1 =	srdreg.scid  }
0x8b: {  	s0 =	sand.u32 $0x1, s1  }
0x8c: {  	s16 =	sshll.u32 s0, $0xA;
	s2 =	sadd.s32 s3, s2  }
0x8d: {  	s2 =	sadd.s32 s2, s16  }
0x8e: {  	[smem:$0x3FC0] =	sst s2  }
0x8f: {  	_ = 	snop  }
0x90: {  	(tm) =	ssettm $0x1  }
0x91: {  	s17 =	sld [smem:$0x3FFB];
	_ =	sdelay $0x3  }
0x92: {  	_ =	strace s17  }
0x93: {  	s2 =	sld [smem:$0x3FFC];
	_ =	sdelay $0x3  }
0x94: {  	_ =	strace s2  }
0x95: {  	s2 =	sld [smem:$0x3FFD];
	_ =	sdelay $0x3  }
0x96: {  	_ =	strace s2  }
0x97: {  	_ =	strace $0x8FFFFFFF  }
0x98: {  	s18 =	sld [smem:$0x3FDB];
	_ =	sdelay $0x1  }
0x99: {  	s19 =	simm.s32 $_scs_section_size  }
0x9a: {  	s4 =	simm.s32 $_size__tile_overlayer_lowered;
	s5 =	simm.s32 $_tile_overlayer_lowered  }
0x9b: {  	s22 =	simm.s32 $0x1BFF;
	s21 =	sshll.u32 s5, $0x1;
	s2 =	sadd.s32 s19, s18  }
0x9c: {  	s6 =	simm.s32 $0x0;
	s20 =	sshll.u32 s4, $0x1;
	s4 =	sadd.s32 s21, s2  }
0x9d: {  	[timem:s6], [sflag:s22] =	dma.local [hbm:s4], s20  }
0x9e: {  	_ =	swait.ge [sflag:s22], s20  }
0x9f: {  	s3 =	ssub.s32 $0x0, s20;
	[sflag:s22] =	ssyncset.done $0x0  }
0xa0: {  	[sflag:s22] =	ssyncadd.s32 s3;
	_ =	sdelay $0x1  }
0xa1: {  	s23 =	simm.s32 $0x1B8B  }
0xa2: {  	_ =	swait.ge [sflag:s23], $0x1  }
0xa3: {  	[sflag:s23] =	ssyncset.done $0x0  }
0xa4: {  	s25 =	simm.s32 $0x1B8E;
	s24 =	sld [smem:$0x3FFE];
	[sflag:s23] =	ssyncadd.s32 $0xFFFFFFFF  }
0xa5: {  	s26 =	simm.s32 $execute0_lowered;
	[smem:$0x3FD2] =	sst s25  }
0xa6: {  	s4 =	sshll.u32 s26, $0x1;
	_ =	strace $0x80000049;
	[dreg:$0x1] =	wrdreg $0xFFFFFFFF  }
0xa7: {  	s28 =	simm.s32 $_size_execute0_lowered;
	s2 =	sadd.s32 s2, s4;
	[dreg:$0x0] =	wrdreg $0x0  }
0xa8: {  	s4 =	sshll.u32 s28, $0x1;
	[dreg:$0x2] =	wrdreg s2  }
0xa9: {  	[dreg:$0x3] =	wrdreg s4  }
0xaa: {  	[dreg:$0x4] =	wrdreg $0xC0  }
0xab: {  	_ =	task [dreg:s6], $0x5FFFF  }
0xac: {  	[dreg:$0x1] =	wrdreg $0xFFFFFFFF  }
0xad: {  	[dreg:$0x0] =	wrdreg $0x60  }
0xae: {  	[dreg:$0x2] =	wrdreg s24  }
0xaf: {  	[dreg:$0x3] =	wrdreg $0x0  }
0xb0: {  	[dreg:$0x4] =	wrdreg $0x9  }
0xb1: {  	_ =	task.clear_ibuf [dreg:s6], $0x5FFFF;
	_ =	strace $0x90000049  }
0xb2: {  	s29 =	simm.s32 $0x9;
	_ =	strace $0x8000004B  }
0xb3: {  	_ =	swait.ge [sflag:s29], $0x1  }
0xb4: {  	[sflag:s29] =	ssyncadd.s32 $0xFFFFFFFF  }
0xb5: {  	_ =	strace $0x9000004B  }
0xb6: {  	_ =	sfence  }
0xb7: {  	s30 =	sld [smem:$0x0];
	_ =	sdelay $0x2  }
0xb8: {  	s31 =	sshll.u32 s1, $0xD;
	s1 =	sshrl.u32 s1, $0x2  }
0xb9: {  	s3 =	sand.u32 $0x4000, s31;
	s1 =	sadd.s32 s1, s30  }
0xba: {  	s0 =	sor.u32 s3, s0;
	s1 =	sshll.u32 s1, $0x11  }
0xbb: {  	s0 =	sor.u32 s1, s0  }
0xbc: {  	s0 =	sadd.s32 $0x8F2B, s0  }
0xbd: {  	[sflag:s0] =	ssyncadd.remote.s32 $0x1  }
0xbe: {  	_ =	sfence.sel $0xFFFF  }
0xbf: {  	[dreg:$0x0] =	wrdreg $0xFFFFFFFF;
	(pc) =	sbr.abs _section_cstart, $3  }
0xc0: {  	[dreg:$0x1] =	wrdreg $0xFFFFFFFF  }
0xc1: {  	_ =	task.clear_ibuf [dreg:s6], $0x2FFFF;
	_ =	strace $0x9FFFFFFF  }
0xc2: {  	(tm) =	ssettm $0x7FFFFFFF  }
0xc3: {  	_ =	shalt  }
tec
execute0_lowered:
.L_overlay_start_1:
0x0: {  	(tag) =	ssettag $0x1  }
0x1: {  	s0 =	rddreg [dreg:$0x0]  }
0x2: {  	s1 =	srdreg.scid;
	s2 =	rddreg [dreg:$0x1]  }
0x3: {  	s9 =	stileid.u32;
	s3 =	simm.s32 $0x0;
	s17 =	simm.s32 $0x14000  }
0x4: {  	s18 =	simm.s32 $0x16900;
	s19 =	simm.s32 $0x6;
	s20 =	simm.s32 $0x5  }
0x5: {  	s21 =	simm.s32 $0x16800;
	s22 =	simm.s32 $0x16880;
	s23 =	simm.s32 $0x80  }
0x6: {  	s28 =	simm.s32 $0x3;
	s29 =	simm.s32 $0x2;
	s4 =	smul.u32 $0x2800, s9  }
0x7: {  	s30 =	simm.s32 $0x4;
	s31 =	simm.s32 $0x0;
	s6 =	smul.u32 $0x14000, s9  }
0x8: {  	s1 =	sand.u32 $0x1, s1;
	[smem:$0x7FF] =	sst s3;
	s9 =	smul.u32 $0x50000, s9  }
0x9: {  	s5 =	smul.u32 $0x140000, s1;
	_ =	strace $0x8000004A;
	s1 =	ssub.s32 $0x2, s1  }
0xa: {  	s8 =	sshrl.u32 s4, $0x3;
	s25 =	sshrl.u32 s1, $0x1;
	s9 =	sshrl.u32 s9, $0x2  }
0xb: {  	s7 =	sshrl.u32 s5, $0x3;
	s24 =	sadd.s32 s8, s0;
	s5 =	sadd.s32 s6, s5  }
0xc: {  	s1 =	ssub.s32 s1, s25;
	s25 =	simm.s32 $0x1A900;
	s10 =	sadd.s32 s7, s0  }
0xd: {  	s6 =	sshrl.u32 s5, $0x3;
	s5 =	sadd.s32 $0x10C00, s0;
	s7 =	sadd.s32 $0xBC00, s24  }
0xe: {  	s12 =	smax.u32 s1, $0x1;
	s0 =	sadd.s32 s6, s0;
	s6 =	sadd.s32 s5, s8  }
0xf: {  	[dreg:$0x3] =	wrdreg s7;
	s8 =	sadd.s32 s9, s2;
	s10 =	sadd.s32 $0x15C00, s10  }
0x10: {  	s26 =	sadd.s32 $0x10, s6;
	s0 =	sadd.s32 $0x65C00, s0;
	s13 =	sadd.s32 $0x4000, s8  }
0x11: {  	s14 =	sadd.s32 $0x8000, s8;
	s15 =	sadd.s32 $0xC000, s8;
	[dreg:$0x4] =	wrdreg s26  }
0x12: {  	v0 =	vimm.f32 $0.0e+00;
	s16 =	sadd.s32 $0x10000, s8;
	[dreg:$0x5] =	wrdreg s0;
	s26 =	simm.s32 $0x1  }
.LBB2_1:
0x13: {  	s0 =	rddreg [dreg:$0x3]  }
0x14: {  	[tilespmem:s17], [sflag:$0x5] =	stream.linear.gather [hbm4b:s0+s3], $0x2800, $0x38;
	[tilespmem:$0x1E900] =	vst v63  }
0x15: {  	s1 =	simm.s32 $0x200;
	s0 =	simm.s32 $0x0  }
.LBB2_2:
0x16: {  	p0 =	sne.s32 s1, $0xFE00;
	[tilespmem:s0+$0x16970] =	vst v0  }
0x17: {  	[tilespmem:s0+$0x16900] =	vst v0  }
0x18: {  	[tilespmem:s0+$0x16910] =	vst v0  }
.Ltmp0:
0x19: {  	[tilespmem:s0+$0x16920] =	vst v0;
	(pc) =	sbr.rel @p0 .LBB2_2-.Ltmp0, $4  }
0x1a: {  	[tilespmem:s0+$0x16930] =	vst v0  }
0x1b: {  	[tilespmem:s0+$0x16940] =	vst v0  }
0x1c: {  	[tilespmem:s0+$0x16950] =	vst v0  }
0x1d: {  	[tilespmem:s0+$0x16960] =	vst v0;
	s0 =	sshra.s32 s1, $0x2;
	s1 =	sadd.s32 $0x200, s1  }
0x1e: {  	[tilespmem:s0+$0x16970] =	vst v0  }
0x1f: {  	[tilespmem:s0+$0x16900] =	vst v0  }
0x20: {  	[tilespmem:s0+$0x16910] =	vst v0  }
0x21: {  	[tilespmem:s0+$0x16920] =	vst v0  }
0x22: {  	[tilespmem:s0+$0x16930] =	vst v0  }
0x23: {  	[tilespmem:s0+$0x16940] =	vst v0  }
0x24: {  	[tilespmem:s0+$0x16950] =	vst v0  }
0x25: {  	[tilespmem:s0+$0x16960] =	vst v0  }
0x26: {  	[spmem:s8] =	stream.linear.scatter [tilespmem:s18], [sflag:$0x6], $0x4000, $0x38;
	[tilespmem:$0x1E900] =	vst v63  }
0x27: {  	_ =	swait.ge [sflag:s19], $0x4000  }
0x28: {  	[sflag:s19] =	ssyncset.done $0x0  }
0x29: {  	[sflag:s19] =	ssyncadd.s32 $0xFFFFC000  }
0x2a: {  	[spmem:s13] =	stream.linear.scatter [tilespmem:s18], [sflag:$0x6], $0x4000, $0x38;
	[tilespmem:$0x1E900] =	vst v63  }
0x2b: {  	_ =	swait.ge [sflag:s19], $0x4000  }
0x2c: {  	[sflag:s19] =	ssyncset.done $0x0  }
0x2d: {  	[sflag:s19] =	ssyncadd.s32 $0xFFFFC000  }
0x2e: {  	[spmem:s14] =	stream.linear.scatter [tilespmem:s18], [sflag:$0x6], $0x4000, $0x38;
	[tilespmem:$0x1E900] =	vst v63  }
0x2f: {  	_ =	swait.ge [sflag:s19], $0x4000  }
0x30: {  	[sflag:s19] =	ssyncset.done $0x0  }
0x31: {  	[sflag:s19] =	ssyncadd.s32 $0xFFFFC000  }
0x32: {  	[spmem:s15] =	stream.linear.scatter [tilespmem:s18], [sflag:$0x6], $0x4000, $0x38;
	[tilespmem:$0x1E900] =	vst v63  }
0x33: {  	_ =	swait.ge [sflag:s19], $0x4000  }
0x34: {  	[sflag:s19] =	ssyncset.done $0x0  }
0x35: {  	[sflag:s19] =	ssyncadd.s32 $0xFFFFC000  }
0x36: {  	[spmem:s16] =	stream.linear.scatter [tilespmem:s18], [sflag:$0x6], $0x4000, $0x38;
	[tilespmem:$0x1E900] =	vst v63  }
0x37: {  	_ =	swait.ge [sflag:s19], $0x4000  }
0x38: {  	[sflag:s19] =	ssyncset.done $0x0  }
0x39: {  	[sflag:s19] =	ssyncadd.s32 $0xFFFFC000  }
0x3a: {  	_ =	swait.ge [sflag:s20], $0x2800  }
0x3b: {  	[sflag:s20] =	ssyncset.done $0x0  }
0x3c: {  	[sflag:s20] =	ssyncadd.s32 $0xFFFFD800  }
0x3d: {  	[bflag:$0x0] =	sbarrier.arrive $0xFFFF  }
0x3e: {  	[tilespmem:s21], [sflag:$0x3] =	stream.linear.gather [hbm4b:s6+s3], $0x80, $0x38;
	[tilespmem:$0x1E900] =	vst v63  }
0x3f: {  	s24 =	rddreg [dreg:$0x4]  }
0x40: {  	[tilespmem:s22], [sflag:$0x4] =	stream.linear.gather [hbm4b:s24+s3], $0x80, $0x38;
	[tilespmem:$0x1E900] =	vst v63  }
0x41: {  	_ = 	snop  }
0x42: {  	[tilespmem:s18], [sflag:$0x1] =	stream.indirect.gather [hbm4b:s10+s23], $0x80, s17, s23, $0xb8;
	[tilespmem:$0x1E900] =	vst v63  }
0x43: {  	s1 =	simm.s32 $0x14080  }
0x44: {  	[tilespmem:s25], [sflag:$0x2] =	stream.indirect.gather [hbm4b:s10+s23], $0x80, s1, s23, $0xb8;
	[tilespmem:$0x1E900] =	vst v63  }
0x45: {  	_ =	swait.ge [sflag:s26], $0x4000  }
0x46: {  	[sflag:s26] =	ssyncset.done $0x0  }
0x47: {  	[sflag:s26] =	ssyncadd.s32 $0xFFFFC000  }
0x48: {  	s7 =	simm.s32 $0x100;
	_ =	swait.ge [sflag:s28], $0x80  }
0x49: {  	s1 =	sand.u32 $0x7C00, s7;
	[sflag:s28] =	ssyncset.done $0x0  }
0x4a: {  	s0 =	sand.u32 $0x300, s7;
	s1 =	sadd.s32 s4, s1;
	[sflag:s28] =	ssyncadd.s32 $0xFFFFFF80  }
0x4b: {  	[spmem:s2] =	stream.indirect.scatter.add.f32 [tilespmem:s18], [sflag:$0x6], $0x80, s21, s23, $0xb8;
	[tilespmem:$0x1E900] =	vst v63  }
0x4c: {  	s0 =	sor.u32 s0, s1;
	_ =	swait.ge [sflag:s19], $0x4000  }
0x4d: {  	s0 =	sshrl.u32 s0, $0x3;
	[sflag:s19] =	ssyncset.done $0x0  }
0x4e: {  	s0 =	sadd.s32 s5, s0;
	[sflag:s19] =	ssyncadd.s32 $0xFFFFC000  }
0x4f: {  	[tilespmem:s21], [sflag:$0x3] =	stream.linear.gather [hbm4b:s0+s3], $0x80, $0x38;
	[tilespmem:$0x1E900] =	vst v63  }
0x50: {  	s9 =	simm.s32 $0x14100  }
0x51: {  	[tilespmem:s18], [sflag:$0x1] =	stream.indirect.gather [hbm4b:s10+s23], $0x80, s9, s23, $0xb8;
	[tilespmem:$0x1E900] =	vst v63  }
0x52: {  	_ =	swait.ge [sflag:s29], $0x4000  }
0x53: {  	[sflag:s29] =	ssyncset.done $0x0  }
0x54: {  	[sflag:s29] =	ssyncadd.s32 $0xFFFFC000  }
0x55: {  	s11 =	simm.s32 $0x180;
	_ =	swait.ge [sflag:s30], $0x80  }
0x56: {  	s24 =	sand.u32 $0x7C00, s11;
	[sflag:s30] =	ssyncset.done $0x0  }
0x57: {  	s1 =	sadd.s32 s4, s24;
	s0 =	sand.u32 $0x380, s11;
	[sflag:s30] =	ssyncadd.s32 $0xFFFFFF80  }
0x58: {  	[spmem:s2] =	stream.indirect.scatter.add.f32 [tilespmem:s25], [sflag:$0x6], $0x80, s22, s23, $0xb8;
	[tilespmem:$0x1E900] =	vst v63  }
0x59: {  	s0 =	sor.u32 s0, s1;
	_ =	swait.ge [sflag:s19], $0x4000  }
0x5a: {  	s0 =	sshrl.u32 s0, $0x3;
	[sflag:s19] =	ssyncset.done $0x0  }
0x5b: {  	s0 =	sadd.s32 s5, s0;
	[sflag:s19] =	ssyncadd.s32 $0xFFFFC000  }
0x5c: {  	[tilespmem:s22], [sflag:$0x4] =	stream.linear.gather [hbm4b:s0+s3], $0x80, $0x38;
	[tilespmem:$0x1E900] =	vst v63  }
0x5d: {  	s24 =	simm.s32 $0x14200;
	s1 =	simm.s32 $0x14180;
	s0 =	simm.s32 $0x280  }
.LBB2_4:
0x5e: {  	s7 =	sadd.s32 $0x80, s24  }
0x5f: {  	p0 =	sne.s32 s0, $0x2780;
	s9 =	smov.u32 s0;
	s0 =	sadd.s32 $0x100, s0  }
0x60: {  	[tilespmem:s25], [sflag:$0x2] =	stream.indirect.gather [hbm4b:s10+s23], $0x80, s1, s23, $0xb8;
	[tilespmem:$0x1E900] =	vst v63  }
0x61: {  	s1 =	smov.u32 s7;
	_ =	swait.ge [sflag:s26], $0x4000  }
0x62: {  	[sflag:s26] =	ssyncset.done $0x0  }
0x63: {  	[sflag:s26] =	ssyncadd.s32 $0xFFFFC000  }
0x64: {  	_ =	swait.ge [sflag:s28], $0x80  }
0x65: {  	s7 =	sadd.s32 $0xFFFFFF80, s9;
	[sflag:s28] =	ssyncset.done $0x0  }
0x66: {  	s11 =	sand.u32 $0x7C00, s7;
	s7 =	sand.u32 $0x300, s7;
	[sflag:s28] =	ssyncadd.s32 $0xFFFFFF80  }
0x67: {  	[spmem:s2] =	stream.indirect.scatter.add.f32 [tilespmem:s18], [sflag:$0x6], $0x80, s21, s23, $0xb8;
	[tilespmem:$0x1E900] =	vst v63  }
0x68: {  	s11 =	sadd.s32 s4, s11;
	_ =	swait.ge [sflag:s19], $0x4000  }
0x69: {  	s7 =	sor.u32 s7, s11;
	[sflag:s19] =	ssyncset.done $0x0  }
0x6a: {  	s7 =	sshrl.u32 s7, $0x3;
	[sflag:s19] =	ssyncadd.s32 $0xFFFFC000  }
0x6b: {  	s7 =	sadd.s32 s5, s7  }
0x6c: {  	[tilespmem:s21], [sflag:$0x3] =	stream.linear.gather [hbm4b:s7+s3], $0x80, $0x38;
	[tilespmem:$0x1E900] =	vst v63  }
0x6d: {  	_ = 	snop  }
0x6e: {  	[tilespmem:s18], [sflag:$0x1] =	stream.indirect.gather [hbm4b:s10+s23], $0x80, s24, s23, $0xb8;
	[tilespmem:$0x1E900] =	vst v63  }
0x6f: {  	_ =	swait.ge [sflag:s29], $0x4000  }
0x70: {  	[sflag:s29] =	ssyncset.done $0x0  }
0x71: {  	[sflag:s29] =	ssyncadd.s32 $0xFFFFC000  }
0x72: {  	_ =	swait.ge [sflag:s30], $0x80  }
0x73: {  	s7 =	sand.u32 $0x7C00, s9;
	[sflag:s30] =	ssyncset.done $0x0  }
0x74: {  	s9 =	sand.u32 $0x380, s9;
	s7 =	sadd.s32 s4, s7;
	[sflag:s30] =	ssyncadd.s32 $0xFFFFFF80  }
0x75: {  	[spmem:s2] =	stream.indirect.scatter.add.f32 [tilespmem:s25], [sflag:$0x6], $0x80, s22, s23, $0xb8;
	[tilespmem:$0x1E900] =	vst v63  }
.Ltmp1:
0x76: {  	_ = 	snop;
	(pc) =	sbr.rel @p0 .LBB2_4-.Ltmp1, $4  }
0x77: {  	s7 =	sor.u32 s9, s7;
	_ =	swait.ge [sflag:s19], $0x4000  }
0x78: {  	s7 =	sshrl.u32 s7, $0x3;
	[sflag:s19] =	ssyncset.done $0x0  }
0x79: {  	s24 =	sadd.s32 $0x100, s24;
	s7 =	sadd.s32 s5, s7;
	[sflag:s19] =	ssyncadd.s32 $0xFFFFC000  }
0x7a: {  	[tilespmem:s22], [sflag:$0x4] =	stream.linear.gather [hbm4b:s7+s3], $0x80, $0x38;
	[tilespmem:$0x1E900] =	vst v63  }
0x7b: {  	[tilespmem:s25], [sflag:$0x2] =	stream.indirect.gather [hbm4b:s10+s23], $0x80, s1, s23, $0xb8;
	[tilespmem:$0x1E900] =	vst v63  }
0x7c: {  	_ =	swait.ge [sflag:s26], $0x4000  }
0x7d: {  	[sflag:s26] =	ssyncset.done $0x0  }
0x7e: {  	[sflag:s26] =	ssyncadd.s32 $0xFFFFC000  }
0x7f: {  	_ =	swait.ge [sflag:s28], $0x80  }
0x80: {  	[sflag:s28] =	ssyncset.done $0x0  }
0x81: {  	[sflag:s28] =	ssyncadd.s32 $0xFFFFFF80  }
0x82: {  	[spmem:s2] =	stream.indirect.scatter.add.f32 [tilespmem:s18], [sflag:$0x6], $0x80, s21, s23, $0xb8;
	[tilespmem:$0x1E900] =	vst v63  }
0x83: {  	_ =	swait.ge [sflag:s19], $0x4000  }
0x84: {  	[sflag:s19] =	ssyncset.done $0x0  }
0x85: {  	[sflag:s19] =	ssyncadd.s32 $0xFFFFC000  }
0x86: {  	_ =	swait.ge [sflag:s29], $0x4000  }
0x87: {  	[sflag:s29] =	ssyncset.done $0x0  }
0x88: {  	[sflag:s29] =	ssyncadd.s32 $0xFFFFC000  }
0x89: {  	_ =	swait.ge [sflag:s30], $0x80  }
0x8a: {  	[sflag:s30] =	ssyncset.done $0x0  }
0x8b: {  	[sflag:s30] =	ssyncadd.s32 $0xFFFFFF80  }
0x8c: {  	[spmem:s2] =	stream.indirect.scatter.add.f32 [tilespmem:s25], [sflag:$0x6], $0x80, s22, s23, $0xb8;
	[tilespmem:$0x1E900] =	vst v63  }
0x8d: {  	_ =	swait.ge [sflag:s19], $0x4000  }
0x8e: {  	s0 =	stileid.u32;
	[sflag:s19] =	ssyncset.done $0x0  }
0x8f: {  	s24 =	sshrl.u32 s8, $0x3;
	s31 =	sadd.s32 $0x1, s31;
	[sflag:s19] =	ssyncadd.s32 $0xFFFFC000  }
0x90: {  	s0 =	sshll.u32 s0, $0x6;
	p0 =	sne.s32 s31, s12;
	[bflag:$0x0] =	sbarrier.arrive $0xFFFF  }
.Ltmp2:
0x91: {  	s0 =	sor.u32 $0x1C06, s0;
	s7 =	rddreg [dreg:$0x5];
	(pc) =	sbr.rel @p0 .LBB2_1-.Ltmp2, $4  }
0x92: {  	[hbm:s7], [sflag:s0] =	dma.local [spmem:s24], $0x2800  }
0x93: {  	_ =	swait.ge [sflag:s19], $0x2800  }
0x94: {  	[sflag:s19] =	ssyncset.done $0x0  }
0x95: {  	[sflag:s19] =	ssyncadd.s32 $0xFFFFD800  }
0x96: {  	_ =	sfence.sel $0x180000  }
0x97: {  	[bflag:$0x0] =	sbarrier.arrive $0xFFFF  }
0x98: {  	_ =	strace $0x9000004A  }
0x99: {  	s0 =	stileid.u32;
	[bflag:$0x2] =	sbarrier.arrive $0xFFFF  }
0x9a: {  	p0 =	sne.s32 s0, $0x0;
	s0 =	rddreg [dreg:$0x2]  }
0x9b: {  	s0 =	sadd.s32 @!p0 $0x100000, s0  }
0x9c: {  	[sflag:s0] =	ssyncadd.tile.s32 @!p0 $0x1;
	_ =	shalt  }
.Lfunc_end2:
_tile_overlayer_lowered:
.L_overlay_start_2:
0x9d: {  	(tag) =	ssettag $0x2  }
0x9e: {  	s0 =	rddreg [dreg:$0x0];
	s2 =	stileid.u32  }
0x9f: {  	s1 =	rddreg [dreg:$0x1];
	p0 =	sne.s32 s2, $0x0  }
0xa0: {  	s3 =	rddreg [dreg:$0x2];
	[bflag:$0x3] =	sbarrier.arrive $0xFFFF;
	s2 =	simm.s32 @!p0 $0x1C06  }
0xa1: {  	[timem:s3], [sflag:s2] =	dma.local @!p0 [hbm:s0], s1  }
0xa2: {  	s0 =	simm.s32 @!p0 $0x6  }
0xa3: {  	_ =	swait.ge @!p0 [sflag:s0], s1  }
0xa4: {  	s1 =	ssub.s32 @!p0 $0x0, s1;
	[sflag:s0] =	ssyncset.done @!p0 $0x0  }
0xa5: {  	[sflag:s0] =	ssyncadd.s32 @!p0 s1  }
0xa6: {  	[bflag:$0x3] =	sbarrier.arrive $0xFFFF  }
0xa7: {  	_ =	shalt  }

// kernel: kernel.14.cloned.1.call-start
scs
__scs_entry_jumppad:
0x0: {  	(pc) =	sbr.rel $0x88, $3  }
0x1: {  	(tag) =	ssettag $0x0;
	lr =	simm.s32 $0x1  }
0x2: {  	[smem:$0x3F99] =	sst lr;
	_ =	strace $0xD0000000  }
0x3: {  	_ = 	snop  }
0x4: {  	_ = 	snop  }
0x5: {  	_ = 	snop  }
0x6: {  	_ = 	snop  }
0x7: {  	_ = 	snop  }
__scs_overlays_trampoline_lowered:
0x8: {  	[smem:$0x3FA8] =	sst s0  }
0x9: {  	[smem:$0x3FA9] =	sst s1  }
0xa: {  	[smem:$0x3FAA] =	sst s2  }
0xb: {  	[smem:$0x3FAB] =	sst s3  }
0xc: {  	[smem:$0x3FAC] =	sst s4  }
0xd: {  	[smem:$0x3FAD] =	sst s5  }
0xe: {  	[smem:$0x3FAE] =	sst s6  }
0xf: {  	[smem:$0x3FAF] =	sst s7  }
0x10: {  	[smem:$0x3FB0] =	sst s8  }
0x11: {  	[smem:$0x3FB1] =	sst s9;
	s0 =	simm.s32 @!p0 $0x0  }
0x12: {  	s1 =	sld [smem:$0x3F97];
	s0 =	simm.s32 @p0 $0x1  }
0x13: {  	[smem:$0x3FB2] =	sst s0;
	s0 =	simm.s32 @!p1 $0x0  }
0x14: {  	s2 =	sld [smem:$0x3F96];
	s0 =	simm.s32 @p1 $0x1  }
0x15: {  	[smem:$0x3FB3] =	sst s0;
	s0 =	simm.s32 @!p2 $0x0  }
0x16: {  	s3 =	sld [smem:$0x3FDB];
	s0 =	simm.s32 @p2 $0x1  }
0x17: {  	s4 =	simm.s32 $0x1BF5;
	[smem:$0x3FB5] =	sst s0  }
0x18: {  	s0 =	sld [smem:$0x3F98];
	_ =	swait.ge [sflag:s4], $0x0  }
0x19: {  	s7 =	sld [smem:$0x3F99]  }
0x1a: {  	s8 =	sadd.s32 $0xFFFFE003, lr  }
0x1b: {  	s9 =	sadd.s32 $0xFFFFFEF7, lr;
	s5 =	simm.s32 $0xFFFFFFFF;
	p2 =	slt.u32 s8, $0xFFFFF086  }
0x1c: {  	p1 =	slt.u32 s9, $0xF7A;
	s5 =	simm.s32 @!p2 $0x0  }
0x1d: {  	s5 =	simm.s32 @p1 $0x1;
	p0 =	seq.s32 s7, s2  }
0x1e: {  	s7 =	smul.u32 @!p0 $0xF7A, s2;
	p2 =	seq.s32 @!p0 s5, $0x0  }
0x1f: {  	s9 =	smul.u32 $0xF7A, s1;
	s8 =	simm.s32 @!p0 $0x1BF5;
	p2 =	por !p2, p0  }
0x20: {  	[sflag:s8] =	ssyncset.s32 @!p0 $0xFFFFF086;
	s6 =	sadd.s32 @!p0 s3, s7;
	s7 =	simm.s32 @!p0 $0x108  }
0x21: {  	s3 =	sadd.s32 s3, s9;
	s6 =	sadd.s32 @!p0 $0x88, s6;
	s7 =	simm.s32 @p2 $0x1082  }
0x22: {  	[simem:s7], [sflag:s8] =	dma.local @!p0 [hbm:s6], $0xF7A  }
0x23: {  	s9 =	sor.u32 $0xD0000000, s2;
	s6 =	simm.s32 $0x108;
	_ =	swait.ge @!p0 [sflag:s8], $0x0  }
0x24: {  	s3 =	sadd.s32 $0x88, s3;
	s6 =	simm.s32 @!p1 $0x1082;
	[sflag:s4] =	ssyncset.s32 $0xFFFFF086  }
0x25: {  	[simem:s6], [sflag:s4] =	dma.local [hbm:s3], $0xF7A  }
0x26: {  	[smem:$0x3F99] =	sst s1;
	(tag) =	ssettag s2;
	_ =	strace s9  }
0x27: {  	s1 =	sld [smem:$0x3FA9]  }
0x28: {  	s2 =	sld [smem:$0x3FAA]  }
0x29: {  	s4 =	sld [smem:$0x3FAC]  }
0x2a: {  	p0 =	seq.s32 s5, $0x0;
	s5 =	sld [smem:$0x3FAD]  }
0x2b: {  	s6 =	sld [smem:$0x3FAE]  }
0x2c: {  	s7 =	sld [smem:$0x3FAF]  }
0x2d: {  	s3 =	simm.s32 $0x108;
	s8 =	sld [smem:$0x3FB0]  }
0x2e: {  	s3 =	simm.s32 @!p0 $0x1082;
	s9 =	sld [smem:$0x3FB1]  }
0x2f: {  	lr =	sadd.s32 s0, s3;
	s0 =	sld [smem:$0x3FA8]  }
0x30: {  	s3 =	sld [smem:$0x3FAB]  }
0x31: {  	[smem:$0x3FB4] =	sst s10  }
0x32: {  	s10 =	sld [smem:$0x3FB2];
	_ =	sdelay $0x3  }
0x33: {  	p0 =	seq.s32 s10, $0x1;
	s10 =	sld [smem:$0x3FB4];
	_ =	sdelay $0x3  }
0x34: {  	[smem:$0x3FB4] =	sst s10  }
0x35: {  	s10 =	sld [smem:$0x3FB3];
	_ =	sdelay $0x3  }
0x36: {  	p1 =	seq.s32 s10, $0x1;
	s10 =	sld [smem:$0x3FB4];
	_ =	sdelay $0x3  }
0x37: {  	[smem:$0x3FB4] =	sst s10  }
0x38: {  	s10 =	sld [smem:$0x3FB5]  }
0x39: {  	_ = 	snop;
	(pc) =	sbr.ind lr, $3  }
0x3a: {  	_ = 	snop  }
0x3b: {  	_ = 	snop  }
0x3c: {  	p2 =	seq.s32 s10, $0x1;
	s10 =	sld [smem:$0x3FB4]  }
0x3d: {  	_ =	shalt  }
0x3e: {  	_ =	shalt  }
0x3f: {  	_ =	shalt  }
0x40: {  	_ =	shalt  }
0x41: {  	_ =	shalt  }
0x42: {  	_ =	shalt  }
0x43: {  	_ =	shalt  }
0x44: {  	_ =	shalt  }
0x45: {  	_ =	shalt  }
0x46: {  	_ =	shalt  }
0x47: {  	_ =	shalt  }
0x48: {  	_ =	shalt  }
0x49: {  	_ =	shalt  }
0x4a: {  	_ =	shalt  }
0x4b: {  	_ =	shalt  }
0x4c: {  	_ =	shalt  }
0x4d: {  	_ =	shalt  }
0x4e: {  	_ =	shalt  }
0x4f: {  	_ =	shalt  }
0x50: {  	_ =	shalt  }
0x51: {  	_ =	shalt  }
0x52: {  	_ =	shalt  }
0x53: {  	_ =	shalt  }
0x54: {  	_ =	shalt  }
0x55: {  	_ =	shalt  }
0x56: {  	_ =	shalt  }
0x57: {  	_ =	shalt  }
0x58: {  	_ =	shalt  }
0x59: {  	_ =	shalt  }
0x5a: {  	_ =	shalt  }
0x5b: {  	_ =	shalt  }
0x5c: {  	_ =	shalt  }
0x5d: {  	_ =	shalt  }
0x5e: {  	_ =	shalt  }
0x5f: {  	_ =	shalt  }
0x60: {  	_ =	shalt  }
0x61: {  	_ =	shalt  }
0x62: {  	_ =	shalt  }
0x63: {  	_ =	shalt  }
0x64: {  	_ =	shalt  }
0x65: {  	_ =	shalt  }
0x66: {  	_ =	shalt  }
0x67: {  	_ =	shalt  }
0x68: {  	_ =	shalt  }
0x69: {  	_ =	shalt  }
0x6a: {  	_ =	shalt  }
0x6b: {  	_ =	shalt  }
0x6c: {  	_ =	shalt  }
0x6d: {  	_ =	shalt  }
0x6e: {  	_ =	shalt  }
0x6f: {  	_ =	shalt  }
0x70: {  	_ =	shalt  }
0x71: {  	_ =	shalt  }
0x72: {  	_ =	shalt  }
0x73: {  	_ =	shalt  }
0x74: {  	_ =	shalt  }
0x75: {  	_ =	shalt  }
0x76: {  	_ =	shalt  }
0x77: {  	_ =	shalt  }
0x78: {  	_ =	shalt  }
0x79: {  	_ =	shalt  }
0x7a: {  	_ =	shalt  }
0x7b: {  	_ =	shalt  }
0x7c: {  	_ =	shalt  }
0x7d: {  	_ =	shalt  }
0x7e: {  	_ =	shalt  }
0x7f: {  	_ =	shalt  }
0x80: {  	_ =	shalt  }
0x81: {  	_ =	shalt  }
0x82: {  	_ =	shalt  }
0x83: {  	_ =	shalt  }
0x84: {  	_ =	shalt  }
0x85: {  	_ =	shalt  }
0x86: {  	_ =	shalt  }
0x87: {  	_ =	shalt  }
.Lfunc_end0:
.L_simem_size_0:
called_computation.2_lowered:
.L_overlay_start_0:
0x88: {  	s2 =	sld [smem:$0x3FD9]  }
0x89: {  	s3 =	sld [smem:$0x3FFE];
	_ =	sdelay $0x1  }
0x8a: {  	s1 =	srdreg.scid  }
0x8b: {  	s0 =	sand.u32 $0x1, s1  }
0x8c: {  	s16 =	sshll.u32 s0, $0xA;
	s2 =	sadd.s32 s3, s2  }
0x8d: {  	s2 =	sadd.s32 s2, s16  }
0x8e: {  	[smem:$0x3FC0] =	sst s2  }
0x8f: {  	_ = 	snop  }
0x90: {  	(tm) =	ssettm $0x1  }
0x91: {  	s17 =	sld [smem:$0x3FFB];
	_ =	sdelay $0x3  }
0x92: {  	_ =	strace s17  }
0x93: {  	s2 =	sld [smem:$0x3FFC];
	_ =	sdelay $0x3  }
0x94: {  	_ =	strace s2  }
0x95: {  	s2 =	sld [smem:$0x3FFD];
	_ =	sdelay $0x3  }
0x96: {  	_ =	strace s2  }
0x97: {  	_ =	strace $0x8FFFFFFF  }
0x98: {  	s18 =	sld [smem:$0x3FDB];
	_ =	sdelay $0x1  }
0x99: {  	s19 =	simm.s32 $_scs_section_size  }
0x9a: {  	s4 =	simm.s32 $_size__tile_overlayer_lowered;
	s5 =	simm.s32 $_tile_overlayer_lowered  }
0x9b: {  	s22 =	simm.s32 $0x1BFF;
	s21 =	sshll.u32 s5, $0x1;
	s2 =	sadd.s32 s19, s18  }
0x9c: {  	s6 =	simm.s32 $0x0;
	s20 =	sshll.u32 s4, $0x1;
	s4 =	sadd.s32 s21, s2  }
0x9d: {  	[timem:s6], [sflag:s22] =	dma.local [hbm:s4], s20  }
0x9e: {  	_ =	swait.ge [sflag:s22], s20  }
0x9f: {  	s3 =	ssub.s32 $0x0, s20;
	[sflag:s22] =	ssyncset.done $0x0  }
0xa0: {  	[sflag:s22] =	ssyncadd.s32 s3;
	_ =	sdelay $0x1  }
0xa1: {  	s23 =	simm.s32 $0x1B8B  }
0xa2: {  	_ =	swait.ge [sflag:s23], $0x1  }
0xa3: {  	[sflag:s23] =	ssyncset.done $0x0  }
0xa4: {  	s25 =	simm.s32 $0x1B8E;
	s24 =	sld [smem:$0x3FFE];
	[sflag:s23] =	ssyncadd.s32 $0xFFFFFFFF  }
0xa5: {  	s26 =	simm.s32 $execute0_lowered;
	[smem:$0x3FD2] =	sst s25  }
0xa6: {  	s4 =	sshll.u32 s26, $0x1;
	_ =	strace $0x8000004C;
	[dreg:$0x1] =	wrdreg $0xFFFFFFFF  }
0xa7: {  	s28 =	simm.s32 $_size_execute0_lowered;
	s2 =	sadd.s32 s2, s4;
	[dreg:$0x0] =	wrdreg $0x0  }
0xa8: {  	s4 =	sshll.u32 s28, $0x1;
	[dreg:$0x2] =	wrdreg s2  }
0xa9: {  	[dreg:$0x3] =	wrdreg s4  }
0xaa: {  	[dreg:$0x4] =	wrdreg $0xC0  }
0xab: {  	_ =	task [dreg:s6], $0x5FFFF  }
0xac: {  	[dreg:$0x1] =	wrdreg $0xFFFFFFFF  }
0xad: {  	[dreg:$0x0] =	wrdreg $0x60  }
0xae: {  	[dreg:$0x2] =	wrdreg s24  }
0xaf: {  	[dreg:$0x3] =	wrdreg $0x0  }
0xb0: {  	[dreg:$0x4] =	wrdreg $0x9  }
0xb1: {  	_ =	task.clear_ibuf [dreg:s6], $0x5FFFF;
	_ =	strace $0x9000004C  }
0xb2: {  	s29 =	simm.s32 $0x9;
	_ =	strace $0x8000004E  }
0xb3: {  	_ =	swait.ge [sflag:s29], $0x1  }
0xb4: {  	[sflag:s29] =	ssyncadd.s32 $0xFFFFFFFF  }
0xb5: {  	_ =	strace $0x9000004E  }
0xb6: {  	_ =	sfence  }
0xb7: {  	s30 =	sld [smem:$0x0];
	_ =	sdelay $0x2  }
0xb8: {  	s31 =	sshll.u32 s1, $0xD;
	s1 =	sshrl.u32 s1, $0x2  }
0xb9: {  	s3 =	sand.u32 $0x4000, s31;
	s1 =	sadd.s32 s1, s30  }
0xba: {  	s0 =	sor.u32 s3, s0;
	s1 =	sshll.u32 s1, $0x11  }
0xbb: {  	s0 =	sor.u32 s1, s0  }
0xbc: {  	s0 =	sadd.s32 $0x8F2B, s0  }
0xbd: {  	[sflag:s0] =	ssyncadd.remote.s32 $0x1  }
0xbe: {  	_ =	sfence.sel $0xFFFF  }
0xbf: {  	[dreg:$0x0] =	wrdreg $0xFFFFFFFF;
	(pc) =	sbr.abs _section_cstart, $3  }
0xc0: {  	[dreg:$0x1] =	wrdreg $0xFFFFFFFF  }
0xc1: {  	_ =	task.clear_ibuf [dreg:s6], $0x2FFFF;
	_ =	strace $0x9FFFFFFF  }
0xc2: {  	(tm) =	ssettm $0x7FFFFFFF  }
0xc3: {  	_ =	shalt  }
tec
execute0_lowered:
.L_overlay_start_1:
0x0: {  	(tag) =	ssettag $0x1  }
0x1: {  	s0 =	rddreg [dreg:$0x0]  }
0x2: {  	s1 =	srdreg.scid;
	s2 =	rddreg [dreg:$0x1]  }
0x3: {  	s9 =	stileid.u32;
	s3 =	simm.s32 $0x0;
	s17 =	simm.s32 $0x14000  }
0x4: {  	s18 =	simm.s32 $0x16900;
	s19 =	simm.s32 $0x6;
	s20 =	simm.s32 $0x5  }
0x5: {  	s21 =	simm.s32 $0x16800;
	s22 =	simm.s32 $0x16880;
	s23 =	simm.s32 $0x80  }
0x6: {  	s28 =	simm.s32 $0x3;
	s29 =	simm.s32 $0x2;
	s4 =	smul.u32 $0x2800, s9  }
0x7: {  	s30 =	simm.s32 $0x4;
	s31 =	simm.s32 $0x0;
	s6 =	smul.u32 $0x14000, s9  }
0x8: {  	s1 =	sand.u32 $0x1, s1;
	[smem:$0x7FF] =	sst s3;
	s9 =	smul.u32 $0x50000, s9  }
0x9: {  	s5 =	smul.u32 $0x140000, s1;
	_ =	strace $0x8000004D;
	s1 =	ssub.s32 $0x2, s1  }
0xa: {  	s8 =	sshrl.u32 s4, $0x3;
	s25 =	sshrl.u32 s1, $0x1;
	s9 =	sshrl.u32 s9, $0x2  }
0xb: {  	s7 =	sshrl.u32 s5, $0x3;
	s24 =	sadd.s32 s8, s0;
	s5 =	sadd.s32 s6, s5  }
0xc: {  	s1 =	ssub.s32 s1, s25;
	s25 =	simm.s32 $0x1A900;
	s10 =	sadd.s32 s7, s0  }
0xd: {  	s6 =	sshrl.u32 s5, $0x3;
	s5 =	sadd.s32 $0x10C00, s0;
	s7 =	sadd.s32 $0xBC00, s24  }
0xe: {  	s12 =	smax.u32 s1, $0x1;
	s0 =	sadd.s32 s6, s0;
	s6 =	sadd.s32 s5, s8  }
0xf: {  	[dreg:$0x3] =	wrdreg s7;
	s8 =	sadd.s32 s9, s2;
	s10 =	sadd.s32 $0x15C00, s10  }
0x10: {  	s26 =	sadd.s32 $0x10, s6;
	s0 =	sadd.s32 $0x65C00, s0;
	s13 =	sadd.s32 $0x4000, s8  }
0x11: {  	s14 =	sadd.s32 $0x8000, s8;
	s15 =	sadd.s32 $0xC000, s8;
	[dreg:$0x4] =	wrdreg s26  }
0x12: {  	v0 =	vimm.f32 $0.0e+00;
	s16 =	sadd.s32 $0x10000, s8;
	[dreg:$0x5] =	wrdreg s0;
	s26 =	simm.s32 $0x1  }
.LBB2_1:
0x13: {  	s0 =	rddreg [dreg:$0x3]  }
0x14: {  	[tilespmem:s17], [sflag:$0x5] =	stream.linear.gather [hbm4b:s0+s3], $0x2800, $0x38;
	[tilespmem:$0x1E900] =	vst v63  }
0x15: {  	s1 =	simm.s32 $0x200;
	s0 =	simm.s32 $0x0  }
.LBB2_2:
0x16: {  	p0 =	sne.s32 s1, $0xFE00;
	[tilespmem:s0+$0x16970] =	vst v0  }
0x17: {  	[tilespmem:s0+$0x16900] =	vst v0  }
0x18: {  	[tilespmem:s0+$0x16910] =	vst v0  }
.Ltmp0:
0x19: {  	[tilespmem:s0+$0x16920] =	vst v0;
	(pc) =	sbr.rel @p0 .LBB2_2-.Ltmp0, $4  }
0x1a: {  	[tilespmem:s0+$0x16930] =	vst v0  }
0x1b: {  	[tilespmem:s0+$0x16940] =	vst v0  }
0x1c: {  	[tilespmem:s0+$0x16950] =	vst v0  }
0x1d: {  	[tilespmem:s0+$0x16960] =	vst v0;
	s0 =	sshra.s32 s1, $0x2;
	s1 =	sadd.s32 $0x200, s1  }
0x1e: {  	[tilespmem:s0+$0x16970] =	vst v0  }
0x1f: {  	[tilespmem:s0+$0x16900] =	vst v0  }
0x20: {  	[tilespmem:s0+$0x16910] =	vst v0  }
0x21: {  	[tilespmem:s0+$0x16920] =	vst v0  }
0x22: {  	[tilespmem:s0+$0x16930] =	vst v0  }
0x23: {  	[tilespmem:s0+$0x16940] =	vst v0  }
0x24: {  	[tilespmem:s0+$0x16950] =	vst v0  }
0x25: {  	[tilespmem:s0+$0x16960] =	vst v0  }
0x26: {  	[spmem:s8] =	stream.linear.scatter [tilespmem:s18], [sflag:$0x6], $0x4000, $0x38;
	[tilespmem:$0x1E900] =	vst v63  }
0x27: {  	_ =	swait.ge [sflag:s19], $0x4000  }
0x28: {  	[sflag:s19] =	ssyncset.done $0x0  }
0x29: {  	[sflag:s19] =	ssyncadd.s32 $0xFFFFC000  }
0x2a: {  	[spmem:s13] =	stream.linear.scatter [tilespmem:s18], [sflag:$0x6], $0x4000, $0x38;
	[tilespmem:$0x1E900] =	vst v63  }
0x2b: {  	_ =	swait.ge [sflag:s19], $0x4000  }
0x2c: {  	[sflag:s19] =	ssyncset.done $0x0  }
0x2d: {  	[sflag:s19] =	ssyncadd.s32 $0xFFFFC000  }
0x2e: {  	[spmem:s14] =	stream.linear.scatter [tilespmem:s18], [sflag:$0x6], $0x4000, $0x38;
	[tilespmem:$0x1E900] =	vst v63  }
0x2f: {  	_ =	swait.ge [sflag:s19], $0x4000  }
0x30: {  	[sflag:s19] =	ssyncset.done $0x0  }
0x31: {  	[sflag:s19] =	ssyncadd.s32 $0xFFFFC000  }
0x32: {  	[spmem:s15] =	stream.linear.scatter [tilespmem:s18], [sflag:$0x6], $0x4000, $0x38;
	[tilespmem:$0x1E900] =	vst v63  }
0x33: {  	_ =	swait.ge [sflag:s19], $0x4000  }
0x34: {  	[sflag:s19] =	ssyncset.done $0x0  }
0x35: {  	[sflag:s19] =	ssyncadd.s32 $0xFFFFC000  }
0x36: {  	[spmem:s16] =	stream.linear.scatter [tilespmem:s18], [sflag:$0x6], $0x4000, $0x38;
	[tilespmem:$0x1E900] =	vst v63  }
0x37: {  	_ =	swait.ge [sflag:s19], $0x4000  }
0x38: {  	[sflag:s19] =	ssyncset.done $0x0  }
0x39: {  	[sflag:s19] =	ssyncadd.s32 $0xFFFFC000  }
0x3a: {  	_ =	swait.ge [sflag:s20], $0x2800  }
0x3b: {  	[sflag:s20] =	ssyncset.done $0x0  }
0x3c: {  	[sflag:s20] =	ssyncadd.s32 $0xFFFFD800  }
0x3d: {  	[bflag:$0x0] =	sbarrier.arrive $0xFFFF  }
0x3e: {  	[tilespmem:s21], [sflag:$0x3] =	stream.linear.gather [hbm4b:s6+s3], $0x80, $0x38;
	[tilespmem:$0x1E900] =	vst v63  }
0x3f: {  	s24 =	rddreg [dreg:$0x4]  }
0x40: {  	[tilespmem:s22], [sflag:$0x4] =	stream.linear.gather [hbm4b:s24+s3], $0x80, $0x38;
	[tilespmem:$0x1E900] =	vst v63  }
0x41: {  	_ = 	snop  }
0x42: {  	[tilespmem:s18], [sflag:$0x1] =	stream.indirect.gather [hbm4b:s10+s23], $0x80, s17, s23, $0xb8;
	[tilespmem:$0x1E900] =	vst v63  }
0x43: {  	s1 =	simm.s32 $0x14080  }
0x44: {  	[tilespmem:s25], [sflag:$0x2] =	stream.indirect.gather [hbm4b:s10+s23], $0x80, s1, s23, $0xb8;
	[tilespmem:$0x1E900] =	vst v63  }
0x45: {  	_ =	swait.ge [sflag:s26], $0x4000  }
0x46: {  	[sflag:s26] =	ssyncset.done $0x0  }
0x47: {  	[sflag:s26] =	ssyncadd.s32 $0xFFFFC000  }
0x48: {  	s7 =	simm.s32 $0x100;
	_ =	swait.ge [sflag:s28], $0x80  }
0x49: {  	s1 =	sand.u32 $0x7C00, s7;
	[sflag:s28] =	ssyncset.done $0x0  }
0x4a: {  	s0 =	sand.u32 $0x300, s7;
	s1 =	sadd.s32 s4, s1;
	[sflag:s28] =	ssyncadd.s32 $0xFFFFFF80  }
0x4b: {  	[spmem:s2] =	stream.indirect.scatter.add.f32 [tilespmem:s18], [sflag:$0x6], $0x80, s21, s23, $0xb8;
	[tilespmem:$0x1E900] =	vst v63  }
0x4c: {  	s0 =	sor.u32 s0, s1;
	_ =	swait.ge [sflag:s19], $0x4000  }
0x4d: {  	s0 =	sshrl.u32 s0, $0x3;
	[sflag:s19] =	ssyncset.done $0x0  }
0x4e: {  	s0 =	sadd.s32 s5, s0;
	[sflag:s19] =	ssyncadd.s32 $0xFFFFC000  }
0x4f: {  	[tilespmem:s21], [sflag:$0x3] =	stream.linear.gather [hbm4b:s0+s3], $0x80, $0x38;
	[tilespmem:$0x1E900] =	vst v63  }
0x50: {  	s9 =	simm.s32 $0x14100  }
0x51: {  	[tilespmem:s18], [sflag:$0x1] =	stream.indirect.gather [hbm4b:s10+s23], $0x80, s9, s23, $0xb8;
	[tilespmem:$0x1E900] =	vst v63  }
0x52: {  	_ =	swait.ge [sflag:s29], $0x4000  }
0x53: {  	[sflag:s29] =	ssyncset.done $0x0  }
0x54: {  	[sflag:s29] =	ssyncadd.s32 $0xFFFFC000  }
0x55: {  	s11 =	simm.s32 $0x180;
	_ =	swait.ge [sflag:s30], $0x80  }
0x56: {  	s24 =	sand.u32 $0x7C00, s11;
	[sflag:s30] =	ssyncset.done $0x0  }
0x57: {  	s1 =	sadd.s32 s4, s24;
	s0 =	sand.u32 $0x380, s11;
	[sflag:s30] =	ssyncadd.s32 $0xFFFFFF80  }
0x58: {  	[spmem:s2] =	stream.indirect.scatter.add.f32 [tilespmem:s25], [sflag:$0x6], $0x80, s22, s23, $0xb8;
	[tilespmem:$0x1E900] =	vst v63  }
0x59: {  	s0 =	sor.u32 s0, s1;
	_ =	swait.ge [sflag:s19], $0x4000  }
0x5a: {  	s0 =	sshrl.u32 s0, $0x3;
	[sflag:s19] =	ssyncset.done $0x0  }
0x5b: {  	s0 =	sadd.s32 s5, s0;
	[sflag:s19] =	ssyncadd.s32 $0xFFFFC000  }
0x5c: {  	[tilespmem:s22], [sflag:$0x4] =	stream.linear.gather [hbm4b:s0+s3], $0x80, $0x38;
	[tilespmem:$0x1E900] =	vst v63  }
0x5d: {  	s24 =	simm.s32 $0x14200;
	s1 =	simm.s32 $0x14180;
	s0 =	simm.s32 $0x280  }
.LBB2_4:
0x5e: {  	s7 =	sadd.s32 $0x80, s24  }
0x5f: {  	p0 =	sne.s32 s0, $0x2780;
	s9 =	smov.u32 s0;
	s0 =	sadd.s32 $0x100, s0  }
0x60: {  	[tilespmem:s25], [sflag:$0x2] =	stream.indirect.gather [hbm4b:s10+s23], $0x80, s1, s23, $0xb8;
	[tilespmem:$0x1E900] =	vst v63  }
0x61: {  	s1 =	smov.u32 s7;
	_ =	swait.ge [sflag:s26], $0x4000  }
0x62: {  	[sflag:s26] =	ssyncset.done $0x0  }
0x63: {  	[sflag:s26] =	ssyncadd.s32 $0xFFFFC000  }
0x64: {  	_ =	swait.ge [sflag:s28], $0x80  }
0x65: {  	s7 =	sadd.s32 $0xFFFFFF80, s9;
	[sflag:s28] =	ssyncset.done $0x0  }
0x66: {  	s11 =	sand.u32 $0x7C00, s7;
	s7 =	sand.u32 $0x300, s7;
	[sflag:s28] =	ssyncadd.s32 $0xFFFFFF80  }
0x67: {  	[spmem:s2] =	stream.indirect.scatter.add.f32 [tilespmem:s18], [sflag:$0x6], $0x80, s21, s23, $0xb8;
	[tilespmem:$0x1E900] =	vst v63  }
0x68: {  	s11 =	sadd.s32 s4, s11;
	_ =	swait.ge [sflag:s19], $0x4000  }
0x69: {  	s7 =	sor.u32 s7, s11;
	[sflag:s19] =	ssyncset.done $0x0  }
0x6a: {  	s7 =	sshrl.u32 s7, $0x3;
	[sflag:s19] =	ssyncadd.s32 $0xFFFFC000  }
0x6b: {  	s7 =	sadd.s32 s5, s7  }
0x6c: {  	[tilespmem:s21], [sflag:$0x3] =	stream.linear.gather [hbm4b:s7+s3], $0x80, $0x38;
	[tilespmem:$0x1E900] =	vst v63  }
0x6d: {  	_ = 	snop  }
0x6e: {  	[tilespmem:s18], [sflag:$0x1] =	stream.indirect.gather [hbm4b:s10+s23], $0x80, s24, s23, $0xb8;
	[tilespmem:$0x1E900] =	vst v63  }
0x6f: {  	_ =	swait.ge [sflag:s29], $0x4000  }
0x70: {  	[sflag:s29] =	ssyncset.done $0x0  }
0x71: {  	[sflag:s29] =	ssyncadd.s32 $0xFFFFC000  }
0x72: {  	_ =	swait.ge [sflag:s30], $0x80  }
0x73: {  	s7 =	sand.u32 $0x7C00, s9;
	[sflag:s30] =	ssyncset.done $0x0  }
0x74: {  	s9 =	sand.u32 $0x380, s9;
	s7 =	sadd.s32 s4, s7;
	[sflag:s30] =	ssyncadd.s32 $0xFFFFFF80  }
0x75: {  	[spmem:s2] =	stream.indirect.scatter.add.f32 [tilespmem:s25], [sflag:$0x6], $0x80, s22, s23, $0xb8;
	[tilespmem:$0x1E900] =	vst v63  }
.Ltmp1:
0x76: {  	_ = 	snop;
	(pc) =	sbr.rel @p0 .LBB2_4-.Ltmp1, $4  }
0x77: {  	s7 =	sor.u32 s9, s7;
	_ =	swait.ge [sflag:s19], $0x4000  }
0x78: {  	s7 =	sshrl.u32 s7, $0x3;
	[sflag:s19] =	ssyncset.done $0x0  }
0x79: {  	s24 =	sadd.s32 $0x100, s24;
	s7 =	sadd.s32 s5, s7;
	[sflag:s19] =	ssyncadd.s32 $0xFFFFC000  }
0x7a: {  	[tilespmem:s22], [sflag:$0x4] =	stream.linear.gather [hbm4b:s7+s3], $0x80, $0x38;
	[tilespmem:$0x1E900] =	vst v63  }
0x7b: {  	[tilespmem:s25], [sflag:$0x2] =	stream.indirect.gather [hbm4b:s10+s23], $0x80, s1, s23, $0xb8;
	[tilespmem:$0x1E900] =	vst v63  }
0x7c: {  	_ =	swait.ge [sflag:s26], $0x4000  }
0x7d: {  	[sflag:s26] =	ssyncset.done $0x0  }
0x7e: {  	[sflag:s26] =	ssyncadd.s32 $0xFFFFC000  }
0x7f: {  	_ =	swait.ge [sflag:s28], $0x80  }
0x80: {  	[sflag:s28] =	ssyncset.done $0x0  }
0x81: {  	[sflag:s28] =	ssyncadd.s32 $0xFFFFFF80  }
0x82: {  	[spmem:s2] =	stream.indirect.scatter.add.f32 [tilespmem:s18], [sflag:$0x6], $0x80, s21, s23, $0xb8;
	[tilespmem:$0x1E900] =	vst v63  }
0x83: {  	_ =	swait.ge [sflag:s19], $0x4000  }
0x84: {  	[sflag:s19] =	ssyncset.done $0x0  }
0x85: {  	[sflag:s19] =	ssyncadd.s32 $0xFFFFC000  }
0x86: {  	_ =	swait.ge [sflag:s29], $0x4000  }
0x87: {  	[sflag:s29] =	ssyncset.done $0x0  }
0x88: {  	[sflag:s29] =	ssyncadd.s32 $0xFFFFC000  }
0x89: {  	_ =	swait.ge [sflag:s30], $0x80  }
0x8a: {  	[sflag:s30] =	ssyncset.done $0x0  }
0x8b: {  	[sflag:s30] =	ssyncadd.s32 $0xFFFFFF80  }
0x8c: {  	[spmem:s2] =	stream.indirect.scatter.add.f32 [tilespmem:s25], [sflag:$0x6], $0x80, s22, s23, $0xb8;
	[tilespmem:$0x1E900] =	vst v63  }
0x8d: {  	_ =	swait.ge [sflag:s19], $0x4000  }
0x8e: {  	s0 =	stileid.u32;
	[sflag:s19] =	ssyncset.done $0x0  }
0x8f: {  	s24 =	sshrl.u32 s8, $0x3;
	s31 =	sadd.s32 $0x1, s31;
	[sflag:s19] =	ssyncadd.s32 $0xFFFFC000  }
0x90: {  	s0 =	sshll.u32 s0, $0x6;
	p0 =	sne.s32 s31, s12;
	[bflag:$0x0] =	sbarrier.arrive $0xFFFF  }
.Ltmp2:
0x91: {  	s0 =	sor.u32 $0x1C06, s0;
	s7 =	rddreg [dreg:$0x5];
	(pc) =	sbr.rel @p0 .LBB2_1-.Ltmp2, $4  }
0x92: {  	[hbm:s7], [sflag:s0] =	dma.local [spmem:s24], $0x2800  }
0x93: {  	_ =	swait.ge [sflag:s19], $0x2800  }
0x94: {  	[sflag:s19] =	ssyncset.done $0x0  }
0x95: {  	[sflag:s19] =	ssyncadd.s32 $0xFFFFD800  }
0x96: {  	_ =	sfence.sel $0x180000  }
0x97: {  	[bflag:$0x0] =	sbarrier.arrive $0xFFFF  }
0x98: {  	_ =	strace $0x9000004D  }
0x99: {  	s0 =	stileid.u32;
	[bflag:$0x2] =	sbarrier.arrive $0xFFFF  }
0x9a: {  	p0 =	sne.s32 s0, $0x0;
	s0 =	rddreg [dreg:$0x2]  }
0x9b: {  	s0 =	sadd.s32 @!p0 $0x100000, s0  }
0x9c: {  	[sflag:s0] =	ssyncadd.tile.s32 @!p0 $0x1;
	_ =	shalt  }
.Lfunc_end2:
_tile_overlayer_lowered:
.L_overlay_start_2:
0x9d: {  	(tag) =	ssettag $0x2  }
0x9e: {  	s0 =	rddreg [dreg:$0x0];
	s2 =	stileid.u32  }
0x9f: {  	s1 =	rddreg [dreg:$0x1];
	p0 =	sne.s32 s2, $0x0  }
0xa0: {  	s3 =	rddreg [dreg:$0x2];
	[bflag:$0x3] =	sbarrier.arrive $0xFFFF;
	s2 =	simm.s32 @!p0 $0x1C06  }
0xa1: {  	[timem:s3], [sflag:s2] =	dma.local @!p0 [hbm:s0], s1  }
0xa2: {  	s0 =	simm.s32 @!p0 $0x6  }
0xa3: {  	_ =	swait.ge @!p0 [sflag:s0], s1  }
0xa4: {  	s1 =	ssub.s32 @!p0 $0x0, s1;
	[sflag:s0] =	ssyncset.done @!p0 $0x0  }
0xa5: {  	[sflag:s0] =	ssyncadd.s32 @!p0 s1  }
0xa6: {  	[bflag:$0x3] =	sbarrier.arrive $0xFFFF  }
0xa7: {  	_ =	shalt  }

// kernel: kernel.8.cloned.1.call-start
scs
__scs_entry_jumppad:
0x0: {  	(pc) =	sbr.rel $0x88, $3  }
0x1: {  	(tag) =	ssettag $0x0;
	lr =	simm.s32 $0x1  }
0x2: {  	[smem:$0x3F99] =	sst lr;
	_ =	strace $0xD0000000  }
0x3: {  	_ = 	snop  }
0x4: {  	_ = 	snop  }
0x5: {  	_ = 	snop  }
0x6: {  	_ = 	snop  }
0x7: {  	_ = 	snop  }
__scs_overlays_trampoline_lowered:
0x8: {  	[smem:$0x3FA8] =	sst s0  }
0x9: {  	[smem:$0x3FA9] =	sst s1  }
0xa: {  	[smem:$0x3FAA] =	sst s2  }
0xb: {  	[smem:$0x3FAB] =	sst s3  }
0xc: {  	[smem:$0x3FAC] =	sst s4  }
0xd: {  	[smem:$0x3FAD] =	sst s5  }
0xe: {  	[smem:$0x3FAE] =	sst s6  }
0xf: {  	[smem:$0x3FAF] =	sst s7  }
0x10: {  	[smem:$0x3FB0] =	sst s8  }
0x11: {  	[smem:$0x3FB1] =	sst s9;
	s0 =	simm.s32 @!p0 $0x0  }
0x12: {  	s1 =	sld [smem:$0x3F97];
	s0 =	simm.s32 @p0 $0x1  }
0x13: {  	[smem:$0x3FB2] =	sst s0;
	s0 =	simm.s32 @!p1 $0x0  }
0x14: {  	s2 =	sld [smem:$0x3F96];
	s0 =	simm.s32 @p1 $0x1  }
0x15: {  	[smem:$0x3FB3] =	sst s0;
	s0 =	simm.s32 @!p2 $0x0  }
0x16: {  	s3 =	sld [smem:$0x3FDB];
	s0 =	simm.s32 @p2 $0x1  }
0x17: {  	s4 =	simm.s32 $0x1BF5;
	[smem:$0x3FB5] =	sst s0  }
0x18: {  	s0 =	sld [smem:$0x3F98];
	_ =	swait.ge [sflag:s4], $0x0  }
0x19: {  	s7 =	sld [smem:$0x3F99]  }
0x1a: {  	s8 =	sadd.s32 $0xFFFFE003, lr  }
0x1b: {  	s9 =	sadd.s32 $0xFFFFFEF7, lr;
	s5 =	simm.s32 $0xFFFFFFFF;
	p2 =	slt.u32 s8, $0xFFFFF086  }
0x1c: {  	p1 =	slt.u32 s9, $0xF7A;
	s5 =	simm.s32 @!p2 $0x0  }
0x1d: {  	s5 =	simm.s32 @p1 $0x1;
	p0 =	seq.s32 s7, s2  }
0x1e: {  	s7 =	smul.u32 @!p0 $0xF7A, s2;
	p2 =	seq.s32 @!p0 s5, $0x0  }
0x1f: {  	s9 =	smul.u32 $0xF7A, s1;
	s8 =	simm.s32 @!p0 $0x1BF5;
	p2 =	por !p2, p0  }
0x20: {  	[sflag:s8] =	ssyncset.s32 @!p0 $0xFFFFF086;
	s6 =	sadd.s32 @!p0 s3, s7;
	s7 =	simm.s32 @!p0 $0x108  }
0x21: {  	s3 =	sadd.s32 s3, s9;
	s6 =	sadd.s32 @!p0 $0x88, s6;
	s7 =	simm.s32 @p2 $0x1082  }
0x22: {  	[simem:s7], [sflag:s8] =	dma.local @!p0 [hbm:s6], $0xF7A  }
0x23: {  	s9 =	sor.u32 $0xD0000000, s2;
	s6 =	simm.s32 $0x108;
	_ =	swait.ge @!p0 [sflag:s8], $0x0  }
0x24: {  	s3 =	sadd.s32 $0x88, s3;
	s6 =	simm.s32 @!p1 $0x1082;
	[sflag:s4] =	ssyncset.s32 $0xFFFFF086  }
0x25: {  	[simem:s6], [sflag:s4] =	dma.local [hbm:s3], $0xF7A  }
0x26: {  	[smem:$0x3F99] =	sst s1;
	(tag) =	ssettag s2;
	_ =	strace s9  }
0x27: {  	s1 =	sld [smem:$0x3FA9]  }
0x28: {  	s2 =	sld [smem:$0x3FAA]  }
0x29: {  	s4 =	sld [smem:$0x3FAC]  }
0x2a: {  	p0 =	seq.s32 s5, $0x0;
	s5 =	sld [smem:$0x3FAD]  }
0x2b: {  	s6 =	sld [smem:$0x3FAE]  }
0x2c: {  	s7 =	sld [smem:$0x3FAF]  }
0x2d: {  	s3 =	simm.s32 $0x108;
	s8 =	sld [smem:$0x3FB0]  }
0x2e: {  	s3 =	simm.s32 @!p0 $0x1082;
	s9 =	sld [smem:$0x3FB1]  }
0x2f: {  	lr =	sadd.s32 s0, s3;
	s0 =	sld [smem:$0x3FA8]  }
0x30: {  	s3 =	sld [smem:$0x3FAB]  }
0x31: {  	[smem:$0x3FB4] =	sst s10  }
0x32: {  	s10 =	sld [smem:$0x3FB2];
	_ =	sdelay $0x3  }
0x33: {  	p0 =	seq.s32 s10, $0x1;
	s10 =	sld [smem:$0x3FB4];
	_ =	sdelay $0x3  }
0x34: {  	[smem:$0x3FB4] =	sst s10  }
0x35: {  	s10 =	sld [smem:$0x3FB3];
	_ =	sdelay $0x3  }
0x36: {  	p1 =	seq.s32 s10, $0x1;
	s10 =	sld [smem:$0x3FB4];
	_ =	sdelay $0x3  }
0x37: {  	[smem:$0x3FB4] =	sst s10  }
0x38: {  	s10 =	sld [smem:$0x3FB5]  }
0x39: {  	_ = 	snop;
	(pc) =	sbr.ind lr, $3  }
0x3a: {  	_ = 	snop  }
0x3b: {  	_ = 	snop  }
0x3c: {  	p2 =	seq.s32 s10, $0x1;
	s10 =	sld [smem:$0x3FB4]  }
0x3d: {  	_ =	shalt  }
0x3e: {  	_ =	shalt  }
0x3f: {  	_ =	shalt  }
0x40: {  	_ =	shalt  }
0x41: {  	_ =	shalt  }
0x42: {  	_ =	shalt  }
0x43: {  	_ =	shalt  }
0x44: {  	_ =	shalt  }
0x45: {  	_ =	shalt  }
0x46: {  	_ =	shalt  }
0x47: {  	_ =	shalt  }
0x48: {  	_ =	shalt  }
0x49: {  	_ =	shalt  }
0x4a: {  	_ =	shalt  }
0x4b: {  	_ =	shalt  }
0x4c: {  	_ =	shalt  }
0x4d: {  	_ =	shalt  }
0x4e: {  	_ =	shalt  }
0x4f: {  	_ =	shalt  }
0x50: {  	_ =	shalt  }
0x51: {  	_ =	shalt  }
0x52: {  	_ =	shalt  }
0x53: {  	_ =	shalt  }
0x54: {  	_ =	shalt  }
0x55: {  	_ =	shalt  }
0x56: {  	_ =	shalt  }
0x57: {  	_ =	shalt  }
0x58: {  	_ =	shalt  }
0x59: {  	_ =	shalt  }
0x5a: {  	_ =	shalt  }
0x5b: {  	_ =	shalt  }
0x5c: {  	_ =	shalt  }
0x5d: {  	_ =	shalt  }
0x5e: {  	_ =	shalt  }
0x5f: {  	_ =	shalt  }
0x60: {  	_ =	shalt  }
0x61: {  	_ =	shalt  }
0x62: {  	_ =	shalt  }
0x63: {  	_ =	shalt  }
0x64: {  	_ =	shalt  }
0x65: {  	_ =	shalt  }
0x66: {  	_ =	shalt  }
0x67: {  	_ =	shalt  }
0x68: {  	_ =	shalt  }
0x69: {  	_ =	shalt  }
0x6a: {  	_ =	shalt  }
0x6b: {  	_ =	shalt  }
0x6c: {  	_ =	shalt  }
0x6d: {  	_ =	shalt  }
0x6e: {  	_ =	shalt  }
0x6f: {  	_ =	shalt  }
0x70: {  	_ =	shalt  }
0x71: {  	_ =	shalt  }
0x72: {  	_ =	shalt  }
0x73: {  	_ =	shalt  }
0x74: {  	_ =	shalt  }
0x75: {  	_ =	shalt  }
0x76: {  	_ =	shalt  }
0x77: {  	_ =	shalt  }
0x78: {  	_ =	shalt  }
0x79: {  	_ =	shalt  }
0x7a: {  	_ =	shalt  }
0x7b: {  	_ =	shalt  }
0x7c: {  	_ =	shalt  }
0x7d: {  	_ =	shalt  }
0x7e: {  	_ =	shalt  }
0x7f: {  	_ =	shalt  }
0x80: {  	_ =	shalt  }
0x81: {  	_ =	shalt  }
0x82: {  	_ =	shalt  }
0x83: {  	_ =	shalt  }
0x84: {  	_ =	shalt  }
0x85: {  	_ =	shalt  }
0x86: {  	_ =	shalt  }
0x87: {  	_ =	shalt  }
.Lfunc_end0:
.L_simem_size_0:
called_computation_lowered:
.L_overlay_start_0:
0x88: {  	s2 =	sld [smem:$0x3FD9]  }
0x89: {  	s3 =	sld [smem:$0x3FFE];
	_ =	sdelay $0x1  }
0x8a: {  	s1 =	srdreg.scid  }
0x8b: {  	s0 =	sand.u32 $0x1, s1  }
0x8c: {  	s17 =	sshll.u32 s0, $0xA;
	s2 =	sadd.s32 s3, s2  }
0x8d: {  	s2 =	sadd.s32 s2, s17  }
0x8e: {  	[smem:$0x3FC0] =	sst s2  }
0x8f: {  	_ = 	snop  }
0x90: {  	s2 =	sld [smem:$0x3FD0];
	(tm) =	ssettm $0x1  }
0x91: {  	s18 =	sld [smem:$0x3FFB];
	_ =	sdelay $0x3  }
0x92: {  	_ =	strace s18  }
0x93: {  	s3 =	sld [smem:$0x3FFC];
	_ =	sdelay $0x3  }
0x94: {  	_ =	strace s3  }
0x95: {  	s3 =	sld [smem:$0x3FFD];
	_ =	sdelay $0x3  }
0x96: {  	_ =	strace s3  }
0x97: {  	_ =	strace $0x8FFFFFFF  }
0x98: {  	s19 =	sld [smem:$0x3FDB];
	_ =	sdelay $0x1  }
0x99: {  	s4 =	simm.s32 $_scs_section_size  }
0x9a: {  	s5 =	simm.s32 $_size__tile_overlayer_lowered;
	s6 =	simm.s32 $_tile_overlayer_lowered  }
0x9b: {  	s22 =	simm.s32 $0x1BFF;
	s21 =	sshll.u32 s6, $0x1;
	s3 =	sadd.s32 s4, s19  }
0x9c: {  	s7 =	simm.s32 $0x0;
	s20 =	sshll.u32 s5, $0x1;
	s5 =	sadd.s32 s21, s3  }
0x9d: {  	[timem:s7], [sflag:s22] =	dma.local [hbm:s5], s20  }
0x9e: {  	_ =	swait.ge [sflag:s22], s20  }
0x9f: {  	s4 =	ssub.s32 $0x0, s20;
	[sflag:s22] =	ssyncset.done $0x0  }
0xa0: {  	[sflag:s22] =	ssyncadd.s32 s4;
	_ =	sdelay $0x1  }
0xa1: {  	s23 =	simm.s32 $0x1B8B  }
0xa2: {  	_ =	swait.ge [sflag:s23], $0x1  }
0xa3: {  	[sflag:s23] =	ssyncset.done $0x0  }
0xa4: {  	s25 =	simm.s32 $0x1B8E;
	s24 =	sld [smem:$0x3FFE];
	[sflag:s23] =	ssyncadd.s32 $0xFFFFFFFF  }
0xa5: {  	s26 =	simm.s32 $execute0_lowered;
	[smem:$0x3FD2] =	sst s25  }
0xa6: {  	s5 =	sshll.u32 s26, $0x1;
	_ =	strace $0x80000046;
	[dreg:$0x1] =	wrdreg $0xFFFFFFFF  }
0xa7: {  	s28 =	simm.s32 $_size_execute0_lowered;
	s3 =	sadd.s32 s3, s5;
	[dreg:$0x0] =	wrdreg $0x0  }
0xa8: {  	s5 =	sshll.u32 s28, $0x1;
	[dreg:$0x2] =	wrdreg s3  }
0xa9: {  	[dreg:$0x3] =	wrdreg s5  }
0xaa: {  	[dreg:$0x4] =	wrdreg $0xC0  }
0xab: {  	_ =	task [dreg:s7], $0x5FFFF  }
0xac: {  	[dreg:$0x1] =	wrdreg $0xFFFFFFFF  }
0xad: {  	[dreg:$0x0] =	wrdreg $0x60  }
0xae: {  	[dreg:$0x2] =	wrdreg s24  }
0xaf: {  	[dreg:$0x3] =	wrdreg s2  }
0xb0: {  	[dreg:$0x4] =	wrdreg $0x9  }
0xb1: {  	_ =	task.clear_ibuf [dreg:s7], $0x5FFFF;
	_ =	strace $0x90000046  }
0xb2: {  	s29 =	simm.s32 $0x9;
	_ =	strace $0x80000048  }
0xb3: {  	_ =	swait.ge [sflag:s29], $0x1  }
0xb4: {  	[sflag:s29] =	ssyncadd.s32 $0xFFFFFFFF  }
0xb5: {  	_ =	strace $0x90000048  }
0xb6: {  	_ =	sfence  }
0xb7: {  	s30 =	sld [smem:$0x0];
	_ =	sdelay $0x2  }
0xb8: {  	s31 =	sshll.u32 s1, $0xD;
	s1 =	sshrl.u32 s1, $0x2  }
0xb9: {  	s3 =	sand.u32 $0x4000, s31;
	s1 =	sadd.s32 s1, s30  }
0xba: {  	s0 =	sor.u32 s3, s0;
	s1 =	sshll.u32 s1, $0x11  }
0xbb: {  	s0 =	sor.u32 s1, s0  }
0xbc: {  	s0 =	sadd.s32 $0x8F2B, s0  }
0xbd: {  	[sflag:s0] =	ssyncadd.remote.s32 $0x1  }
0xbe: {  	_ =	sfence.sel $0xFFFF  }
0xbf: {  	[dreg:$0x0] =	wrdreg $0xFFFFFFFF;
	(pc) =	sbr.abs _section_cstart, $3  }
0xc0: {  	[dreg:$0x1] =	wrdreg $0xFFFFFFFF  }
0xc1: {  	_ =	task.clear_ibuf [dreg:s7], $0x2FFFF;
	_ =	strace $0x9FFFFFFF  }
0xc2: {  	(tm) =	ssettm $0x7FFFFFFF  }
0xc3: {  	_ =	shalt  }
tec
execute0_lowered:
.L_overlay_start_1:
0x0: {  	(tag) =	ssettag $0x1  }
0x1: {  	s4 =	rddreg [dreg:$0x0]  }
0x2: {  	s7 =	rddreg [dreg:$0x1]  }
0x3: {  	s0 =	rddreg [dreg:$0x2]  }
0x4: {  	s3 =	srdreg.scid;
	s1 =	stileid.u32  }
0x5: {  	s2 =	simm.s32 $0x0;
	s11 =	simm.s32 $0x5300;
	s12 =	simm.s32 $0x2780  }
0x6: {  	s13 =	simm.s32 $0x80;
	s14 =	simm.s32 $0x400;
	s15 =	simm.s32 $0x0  }
0x7: {  	s5 =	sand.u32 $0x1, s3;
	s28 =	sshll.u32 s1, $0x1;
	[smem:$0x7FF] =	sst s2  }
0x8: {  	s29 =	sshrl.u32 s1, $0x2;
	s3 =	sadd.s32 $0x6C00, s4;
	s6 =	sor.u32 s5, s28  }
0x9: {  	s8 =	smul.u32 $0x13C00, s29;
	s5 =	ssub.s32 $0x2, s5;
	s9 =	sshll.u32 s6, $0x7  }
0xa: {  	s4 =	sadd.s32 $0x1C00, s4;
	s10 =	sshrl.u32 s5, $0x1;
	s9 =	sand.u32 $0x380, s9  }
0xb: {  	_ =	strace $0x80000047;
	s30 =	ssub.s32 s5, s10;
	s8 =	sor.u32 s8, s9  }
0xc: {  	s5 =	smul.u32 $0x1388, s6;
	s31 =	sshrl.u32 s8, $0x3;
	s8 =	sadd.s32 $0x4F000, s8  }
0xd: {  	s10 =	simm.s32 $0x1;
	s9 =	simm.s32 $0x4F00;
	s8 =	sshrl.u32 s8, $0x3  }
0xe: {  	v0 =	vimm.s32 $0x0;
	v1 =	vimm.s32 $0x1;
	s6 =	sadd.s32 s7, s31;
	s7 =	sadd.s32 s7, s8;
	s8 =	smax.u32 s30, $0x1  }
.LBB2_1:
0xf: {  	s16 =	simm.s32 $0x40;
	s17 =	simm.s32 $0x0  }
.LBB2_2:
0x10: {  	p0 =	sne.s32 s16, $0x9C00;
	[tilespmem:s17+$0x0] =	vst v0;
	s18 =	smov.u32 s16;
	s16 =	sadd.s32 $0x40, s16  }
.Ltmp0:
0x11: {  	[tilespmem:s17+$0x2780] =	vst v0;
	(pc) =	sbr.rel @p0 .LBB2_2-.Ltmp0, $2  }
0x12: {  	_ =	sdelay $0x2  }
0x13: {  	s17 =	sshra.s32 s18, $0x2  }
0x14: {  	[tilespmem:s17+$0x0] =	vst v0  }
0x15: {  	[tilespmem:s17+$0x2780] =	vst v0  }
0x16: {  	[tilespmem:$0x52E0] =	vst v0  }
0x17: {  	s16 =	simm.s32 $0x0;
	s17 =	simm.s32 $0x0;
	[tilespmem:$0x56E0] =	vst v0  }
.LBB2_4:
0x18: {  	s18 =	smul.u32 $0x3E8, s17;
	_ =	sdelay $0x1  }
0x19: {  	s18 =	sadd.s32 s5, s18  }
0x1a: {  	s18 =	sshrl.u32 s18, $0x3  }
0x1b: {  	s19 =	sadd.s32 s3, s18  }
0x1c: {  	[tilespmem:s9], [sflag:$0x1] =	stream.linear.gather [hbm4b:s19+s16], $0x3E8, $0x38;
	[tilespmem:$0x5700] =	vst v63  }
0x1d: {  	_ =	swait.ge [sflag:s10], $0x3E8  }
0x1e: {  	[sflag:s10] =	ssyncset.done $0x0  }
0x1f: {  	s18 =	sadd.s32 s4, s18;
	[sflag:s10] =	ssyncadd.s32 $0xFFFFFC18  }
0x20: {  	[tilespmem:s11], [sflag:$0x1] =	stream.linear.gather [hbm4b:s18+s16], $0x3E8, $0x38;
	[tilespmem:$0x5700] =	vst v63  }
0x21: {  	_ =	swait.ge [sflag:s10], $0x3E8  }
0x22: {  	[sflag:s10] =	ssyncset.done $0x0  }
0x23: {  	s19 =	simm.s32 $0x0;
	s18 =	simm.s32 $0x40;
	[sflag:s10] =	ssyncadd.s32 $0xFFFFFC18  }
.LBB2_5:
0x24: {  	p0 =	sne.s32 s18, $0xF40;
	v2 =	vld [tilespmem:s19+$0x4F00];
	_ =	sdelay $0x7  }
0x25: {  	[tilespmem:v2+s2+$0x0] =	vst.idx.add.s32.msk $0xffff, v1  }
0x26: {  	v2 =	vld [tilespmem:s19+$0x5300];
	_ =	sdelay $0x3  }
.Ltmp1:
0x27: {  	(pc) =	sbr.rel @p0 .LBB2_5-.Ltmp1, $2  }
0x28: {  	_ =	sdelay $0x2  }
0x29: {  	s19 =	sshra.s32 s18, $0x2;
	s18 =	sadd.s32 $0x40, s18;
	[tilespmem:v2+s12+$0x0] =	vst.idx.add.s32.msk $0xffff, v1  }
0x2a: {  	v2 =	vld [tilespmem:s19+$0x4F00];
	_ =	sdelay $0x7  }
0x2b: {  	[tilespmem:v2+s2+$0x0] =	vst.idx.add.s32.msk $0xffff, v1  }
0x2c: {  	v2 =	vld [tilespmem:s19+$0x5300];
	_ =	sdelay $0x7  }
0x2d: {  	[tilespmem:v2+s12+$0x0] =	vst.idx.add.s32.msk $0xffff, v1  }
0x2e: {  	v2 =	vld [tilespmem:$0x52E0];
	_ =	sdelay $0x7  }
0x2f: {  	[tilespmem:v2+s2+$0x0] =	vst.idx.add.s32.msk $0xff, v1  }
0x30: {  	v2 =	vld [tilespmem:$0x56E0];
	_ =	sdelay $0x1  }
0x31: {  	s17 =	sadd.s32 $0x1, s17  }
0x32: {  	p0 =	sne.s32 s17, $0x5  }
.Ltmp2:
0x33: {  	_ = 	snop;
	(pc) =	sbr.rel @p0 .LBB2_4-.Ltmp2, $2  }
0x34: {  	_ =	sdelay $0x2  }
0x35: {  	[tilespmem:v2+s12+$0x0] =	vst.idx.add.s32.msk $0xff, v1  }
0x36: {  	[hbm4b:s6+s13] =	stream.strided.scatter [tilespmem:s2], [sflag:$0x1], $0x2780, s14, s13, $0x38;
	[tilespmem:$0x5700] =	vst v63  }
0x37: {  	s15 =	sadd.s32 $0x1, s15;
	_ =	swait.ge [sflag:s10], $0x2780  }
0x38: {  	p0 =	sne.s32 s15, s8;
	[sflag:s10] =	ssyncset.done $0x0  }
.Ltmp3:
0x39: {  	[sflag:s10] =	ssyncadd.s32 $0xFFFFD880;
	(pc) =	sbr.rel @p0 .LBB2_1-.Ltmp3, $4  }
0x3a: {  	[hbm4b:s7+s13] =	stream.strided.scatter [tilespmem:s12], [sflag:$0x1], $0x2780, s14, s13, $0x38;
	[tilespmem:$0x5700] =	vst v63  }
0x3b: {  	_ =	swait.ge [sflag:s10], $0x2780  }
0x3c: {  	[sflag:s10] =	ssyncset.done $0x0  }
0x3d: {  	[sflag:s10] =	ssyncadd.s32 $0xFFFFD880  }
0x3e: {  	_ =	sfence.sel $0x180000  }
0x3f: {  	[bflag:$0x0] =	sbarrier.arrive $0xFFFF  }
0x40: {  	p0 =	sne.s32 s1, $0x0;
	_ =	strace $0x90000047  }
0x41: {  	s0 =	sadd.s32 @!p0 $0x100000, s0;
	[bflag:$0x2] =	sbarrier.arrive $0xFFFF  }
0x42: {  	[sflag:s0] =	ssyncadd.tile.s32 @!p0 $0x1;
	_ =	shalt  }
.Lfunc_end2:
_tile_overlayer_lowered:
.L_overlay_start_2:
0x43: {  	(tag) =	ssettag $0x2  }
0x44: {  	s0 =	rddreg [dreg:$0x0];
	s2 =	stileid.u32  }
0x45: {  	s1 =	rddreg [dreg:$0x1];
	p0 =	sne.s32 s2, $0x0  }
0x46: {  	s3 =	rddreg [dreg:$0x2];
	[bflag:$0x3] =	sbarrier.arrive $0xFFFF;
	s2 =	simm.s32 @!p0 $0x1C01  }
0x47: {  	[timem:s3], [sflag:s2] =	dma.local @!p0 [hbm:s0], s1  }
0x48: {  	s0 =	simm.s32 @!p0 $0x1  }
0x49: {  	_ =	swait.ge @!p0 [sflag:s0], s1  }
0x4a: {  	s1 =	ssub.s32 @!p0 $0x0, s1;
	[sflag:s0] =	ssyncset.done @!p0 $0x0  }
0x4b: {  	[sflag:s0] =	ssyncadd.s32 @!p0 s1  }
0x4c: {  	[bflag:$0x3] =	sbarrier.arrive $0xFFFF  }
0x4d: {  	_ =	shalt  }

</sc_bundles>
